<compile_context>
chip_gen: v7x
topology: tpu7x:2x2x1
jax: 0.10.2.dev20260603
libtpu: 0.0.44.dev20260713+nightly
codegen_flags: <defaults>
</compile_context>

<pallas_src>
import functools

import jax
import jax.numpy as jnp
from jax import lax
from jax.experimental import pallas as pl
from jax.experimental.pallas import tpu as pltpu
from jax.experimental.pallas import tpu_sc as plsc

N = 10000
E = 160000
IN = 128
OUT = 8
HID = 800

EC = 128
NCHUNKS = E // EC
NROWS = 10240
ROWS_PER_TILE = NROWS // 16
RC = 64
RCHUNKS = ROWS_PER_TILE // RC
D2 = 16
CPT = 39
IDXROWS = 64


def _tile_plan(cid, sid):
  bump = jnp.where(cid == 0, 0, jnp.minimum(sid, 2))
  start = (cid * 16 + sid) * CPT + bump
  stage = jnp.minimum(start, NCHUNKS - IDXROWS)
  off = start - stage
  has40 = jnp.logical_and(cid == 1, sid < 2)
  npairs = jnp.where(has40, CPT // 2 + 1, CPT // 2)
  extra = jnp.logical_not(has40)
  return stage, off, npairs, extra


def _sc_kernel_pass1():
  mesh = plsc.VectorSubcoreMesh(core_axis_name="c", subcore_axis_name="s")

  @functools.partial(
      pl.kernel,
      out_type=(
          jax.ShapeDtypeStruct((2, NROWS, IN), jnp.bfloat16),
          jax.ShapeDtypeStruct((2, NROWS, D2), jnp.float32),
      ),
      mesh=mesh,
      compiler_params=pltpu.CompilerParams(use_tc_tiling_on_sc=False),
      scratch_types=[
          pltpu.VMEM((IDXROWS, EC), jnp.int32),
          pltpu.VMEM((IDXROWS, EC), jnp.int32),
          pltpu.VMEM((EC, IN), jnp.bfloat16),
          pltpu.VMEM((EC, IN), jnp.bfloat16),
          pltpu.VMEM((EC, D2), jnp.float32),
          pltpu.VMEM((RC, D2), jnp.float32),
          pltpu.VMEM_SHARED((NROWS, IN), jnp.bfloat16),
          pltpu.VMEM_SHARED((NROWS, D2), jnp.float32),
          pltpu.SemaphoreType.DMA,
          pltpu.SemaphoreType.DMA,
      ],
  )
  def seg(vals_hbm, src_hbm, dst_hbm, zeros_hbm, zd_hbm, ones_hbm,
          out_hbm, deg_hbm,
          src_v, dst_v, rows_a, rows_b, ones_v, zbuf, acc, acc_deg,
          sem_a, sem_b):
    cid = lax.axis_index("c")
    sid = lax.axis_index("s")
    stage, off, npairs, extra = _tile_plan(cid, sid)
    base = sid * ROWS_PER_TILE
    with jax.named_scope("p1_zero"):
      pltpu.sync_copy(zeros_hbm, rows_a)
      pltpu.sync_copy(zd_hbm, zbuf)
      pltpu.sync_copy(ones_hbm, ones_v)

      def zbody(j, carry):
        pltpu.sync_copy(rows_a.at[pl.ds(0, RC)],
                        acc.at[pl.ds(base + j * RC, RC)])
        pltpu.sync_copy(zbuf, acc_deg.at[pl.ds(base + j * RC, RC)])
        return carry

      lax.fori_loop(0, RCHUNKS, zbody, 0)
    with jax.named_scope("p1_idx"):
      pltpu.sync_copy(src_hbm.at[pl.ds(stage, IDXROWS)], src_v)
      pltpu.sync_copy(dst_hbm.at[pl.ds(stage, IDXROWS)], dst_v)
      plsc.subcore_barrier()

    def body(jj, carry):
      j0 = off + 2 * jj
      j1 = off + 2 * jj + 1
      ga = pltpu.async_copy(vals_hbm.at[src_v.at[j0]], rows_a, sem_a)
      gb = pltpu.async_copy(vals_hbm.at[src_v.at[j1]], rows_b, sem_b)
      pltpu.sync_copy(ones_v, acc_deg.at[dst_v.at[j0]], add=True)
      ga.wait()
      pltpu.sync_copy(rows_a, acc.at[dst_v.at[j0]], add=True)
      pltpu.sync_copy(ones_v, acc_deg.at[dst_v.at[j1]], add=True)
      gb.wait()
      pltpu.sync_copy(rows_b, acc.at[dst_v.at[j1]], add=True)
      return carry

    with jax.named_scope("p1_edges"):
      lax.fori_loop(0, npairs, body, 0)

      @pl.when(extra)
      def _():
        j = off + 2 * npairs
        pltpu.async_copy(vals_hbm.at[src_v.at[j]], rows_a, sem_a).wait()
        pltpu.sync_copy(ones_v, acc_deg.at[dst_v.at[j]], add=True)
        pltpu.sync_copy(rows_a, acc.at[dst_v.at[j]], add=True)

      plsc.subcore_barrier()

    def rbody(j, carry):
      pltpu.sync_copy(acc.at[pl.ds(base + j * RC, RC)],
                      rows_a.at[pl.ds(0, RC)])
      pltpu.sync_copy(rows_a.at[pl.ds(0, RC)],
                      out_hbm.at[cid, pl.ds(base + j * RC, RC)])
      pltpu.sync_copy(acc_deg.at[pl.ds(base + j * RC, RC)], zbuf)
      pltpu.sync_copy(zbuf, deg_hbm.at[cid, pl.ds(base + j * RC, RC)])
      return carry

    with jax.named_scope("p1_read"):
      lax.fori_loop(0, RCHUNKS, rbody, 0)

  return seg


def _sc_kernel_pass2():
  mesh = plsc.VectorSubcoreMesh(core_axis_name="c", subcore_axis_name="s")

  @functools.partial(
      pl.kernel,
      out_type=jax.ShapeDtypeStruct((2, NROWS, D2), jnp.float32),
      mesh=mesh,
      compiler_params=pltpu.CompilerParams(use_tc_tiling_on_sc=False),
      scratch_types=[
          pltpu.VMEM((IDXROWS, EC), jnp.int32),
          pltpu.VMEM((IDXROWS, EC), jnp.int32),
          pltpu.VMEM((EC, D2), jnp.float32),
          pltpu.VMEM((EC, D2), jnp.float32),
          pltpu.VMEM_SHARED((NROWS, D2), jnp.float32),
          pltpu.SemaphoreType.DMA,
          pltpu.SemaphoreType.DMA,
      ],
  )
  def seg(vals_hbm, src_hbm, dst_hbm, zd_hbm, out_hbm,
          src_v, dst_v, rows_a, rows_b, acc, sem_a, sem_b):
    cid = lax.axis_index("c")
    sid = lax.axis_index("s")
    stage, off, npairs, extra = _tile_plan(cid, sid)
    base = sid * ROWS_PER_TILE
    pltpu.sync_copy(zd_hbm, rows_a.at[pl.ds(0, RC)])

    def zbody(j, carry):
      pltpu.sync_copy(rows_a.at[pl.ds(0, RC)],
                      acc.at[pl.ds(base + j * RC, RC)])
      return carry

    lax.fori_loop(0, RCHUNKS, zbody, 0)
    pltpu.sync_copy(src_hbm.at[pl.ds(stage, IDXROWS)], src_v)
    pltpu.sync_copy(dst_hbm.at[pl.ds(stage, IDXROWS)], dst_v)
    plsc.subcore_barrier()

    def body(jj, carry):
      j0 = off + 2 * jj
      j1 = off + 2 * jj + 1
      ga = pltpu.async_copy(vals_hbm.at[src_v.at[j0]], rows_a, sem_a)
      gb = pltpu.async_copy(vals_hbm.at[src_v.at[j1]], rows_b, sem_b)
      ga.wait()
      pltpu.sync_copy(rows_a, acc.at[dst_v.at[j0]], add=True)
      gb.wait()
      pltpu.sync_copy(rows_b, acc.at[dst_v.at[j1]], add=True)
      return carry

    lax.fori_loop(0, npairs, body, 0)

    @pl.when(extra)
    def _():
      j = off + 2 * npairs
      pltpu.async_copy(vals_hbm.at[src_v.at[j]], rows_a, sem_a).wait()
      pltpu.sync_copy(rows_a, acc.at[dst_v.at[j]], add=True)

    plsc.subcore_barrier()

    def rbody(j, carry):
      pltpu.sync_copy(acc.at[pl.ds(base + j * RC, RC)],
                      rows_a.at[pl.ds(0, RC)])
      pltpu.sync_copy(rows_a.at[pl.ds(0, RC)],
                      out_hbm.at[cid, pl.ds(base + j * RC, RC)])
      return carry

    lax.fori_loop(0, RCHUNKS, rbody, 0)

  return seg


_sc_cache = {}


def _sc_pass1(*args):
  if 1 not in _sc_cache:
    _sc_cache[1] = _sc_kernel_pass1()
  return _sc_cache[1](*args)


def _sc_pass2(*args):
  if 2 not in _sc_cache:
    _sc_cache[2] = _sc_kernel_pass2()
  return _sc_cache[2](*args)


_BLK = 2000


def _dense1_body(part, degp, x, w1, w2, w3, b1, b3, wc2, b12, b32,
                 p_out, r_out):
  gx = part[0] + part[1]
  deg = degp[0, :, 0:1] + degp[1, :, 0:1]
  xd = (x[:].astype(jnp.float32) * (-deg)).astype(jnp.bfloat16)
  h = jnp.dot(gx, w1[:], preferred_element_type=jnp.float32)
  h = h + jnp.dot(xd, w2[:], preferred_element_type=jnp.float32)
  h = h + jnp.dot(x[:], w3[:], preferred_element_type=jnp.float32)
  h = h + deg * b1[:] + b3[:]
  h = jnp.maximum(h, 0.0)
  m2 = jnp.dot(h.astype(jnp.bfloat16), wc2[:],
               preferred_element_type=jnp.float32)
  p = m2[:, 0:OUT]
  p_out[:] = jnp.concatenate([p, jnp.zeros_like(p)], axis=1)
  r_out[:] = deg * b12[:] - deg * m2[:, OUT:2 * OUT] + m2[:, 2 * OUT:3 * OUT] \
      + b32[:]


def _dense2_body(gp, r, o):
  s = gp[0, :, 0:OUT] + gp[1, :, 0:OUT] + r[:]
  o[:] = jnp.maximum(s, 0.0)


def kernel(x, edge_index, W1_1, b1_1, W2_1, W3_1, b3_1,
           W1_2, b1_2, W2_2, W3_2, b3_2):
  src_p = edge_index[0].reshape(NCHUNKS, EC)
  dst_p = edge_index[1].reshape(NCHUNKS, EC)

  xb = x.astype(jnp.bfloat16)
  zeros1 = jnp.zeros((EC, IN), jnp.bfloat16)
  zerosd = jnp.zeros((RC, D2), jnp.float32)
  ones1 = jnp.ones((EC, D2), jnp.float32)
  part1, degp = _sc_pass1(xb, src_p, dst_p, zeros1, zerosd, ones1)

  wc2 = jnp.concatenate([W1_2, W2_2, W3_2],
                        axis=1).astype(jnp.bfloat16)
  grid = N // _BLK
  p_pad, r = pl.pallas_call(
      _dense1_body,
      grid=(grid,),
      in_specs=[
          pl.BlockSpec((2, _BLK, IN), lambda i: (0, i, 0)),
          pl.BlockSpec((2, _BLK, D2), lambda i: (0, i, 0)),
          pl.BlockSpec((_BLK, IN), lambda i: (i, 0)),
          pl.BlockSpec((IN, HID), lambda i: (0, 0)),
          pl.BlockSpec((IN, HID), lambda i: (0, 0)),
          pl.BlockSpec((IN, HID), lambda i: (0, 0)),
          pl.BlockSpec((1, HID), lambda i: (0, 0)),
          pl.BlockSpec((1, HID), lambda i: (0, 0)),
          pl.BlockSpec((HID, 3 * OUT), lambda i: (0, 0)),
          pl.BlockSpec((1, OUT), lambda i: (0, 0)),
          pl.BlockSpec((1, OUT), lambda i: (0, 0)),
      ],
      out_specs=[
          pl.BlockSpec((_BLK, D2), lambda i: (i, 0)),
          pl.BlockSpec((_BLK, OUT), lambda i: (i, 0)),
      ],
      out_shape=[
          jax.ShapeDtypeStruct((N, D2), jnp.float32),
          jax.ShapeDtypeStruct((N, OUT), jnp.float32),
      ],
  )(part1, degp, xb, W1_1.astype(jnp.bfloat16), W2_1.astype(jnp.bfloat16),
    W3_1.astype(jnp.bfloat16), b1_1.reshape(1, HID), b3_1.reshape(1, HID),
    wc2, b1_2.reshape(1, OUT), b3_2.reshape(1, OUT))

  part2 = _sc_pass2(p_pad, src_p, dst_p, zerosd)

  out = pl.pallas_call(
      _dense2_body,
      grid=(grid,),
      in_specs=[
          pl.BlockSpec((2, _BLK, D2), lambda i: (0, i, 0)),
          pl.BlockSpec((_BLK, OUT), lambda i: (i, 0)),
      ],
      out_specs=pl.BlockSpec((_BLK, OUT), lambda i: (i, 0)),
      out_shape=jax.ShapeDtypeStruct((N, OUT), jnp.float32),
  )(part2, r)
  return out

# --- scband reference (transcript-rebuilt; emitter-appended) ---
"""Pipeline reference for scband-l2-leconv-84859963834438 (READ-ONLY COPY).

The authoritative reference and input builder live on the scoring server;
editing this copy changes nothing except your own understanding.
"""

import jax, jax.numpy as jnp
import numpy as np

N = 10000
E = 160000
IN = 128
OUT = 8
HID = 100 * OUT


def setup_inputs(seed: int = 0):
    key = jax.random.key(seed)
    ks = jax.random.split(key, 12)
    x = jax.random.normal(ks[0], (N, IN), dtype=jnp.float32)
    edge_index = jax.random.randint(ks[1], (2, E), 0, N, dtype=jnp.int32)
    s1 = float(1.0 / np.sqrt(IN))
    s2 = float(1.0 / np.sqrt(HID))
    W1_1 = jax.random.uniform(ks[2], (IN, HID), jnp.float32, -s1, s1)
    b1_1 = jax.random.uniform(ks[3], (HID,), jnp.float32, -s1, s1)
    W2_1 = jax.random.uniform(ks[4], (IN, HID), jnp.float32, -s1, s1)
    W3_1 = jax.random.uniform(ks[5], (IN, HID), jnp.float32, -s1, s1)
    b3_1 = jax.random.uniform(ks[6], (HID,), jnp.float32, -s1, s1)
    W1_2 = jax.random.uniform(ks[7], (HID, OUT), jnp.float32, -s2, s2)
    b1_2 = jax.random.uniform(ks[8], (OUT,), jnp.float32, -s2, s2)
    W2_2 = jax.random.uniform(ks[9], (HID, OUT), jnp.float32, -s2, s2)
    W3_2 = jax.random.uniform(ks[10], (HID, OUT), jnp.float32, -s2, s2)
    b3_2 = jax.random.uniform(ks[11], (OUT,), jnp.float32, -s2, s2)
    return {"x": x, "edge_index": edge_index,
            "W1_1": W1_1, "b1_1": b1_1, "W2_1": W2_1, "W3_1": W3_1, "b3_1": b3_1,
            "W1_2": W1_2, "b1_2": b1_2, "W2_2": W2_2, "W3_2": W3_2, "b3_2": b3_2}


def _leconv(x, src, dst, W1, b1, W2, W3, b3):
    # PyG LEConv: out_i = sum_{j in N(i)} (lin1(x)_j - lin2(x)_i) + lin3(x)_i, aggr='add'
    a = x @ W1 + b1          # source transform (lin1)
    b = x @ W2               # target transform (lin2, no bias)
    msg = a[src] - b[dst]    # gather src/dst, message per edge
    out = jax.ops.segment_sum(msg, dst, num_segments=x.shape[0])  # scatter-add to dst
    return out + (x @ W3 + b3)


def reference(x, edge_index, W1_1, b1_1, W2_1, W3_1, b3_1, W1_2, b1_2, W2_2, W3_2, b3_2):
    src = edge_index[0]
    dst = edge_index[1]
    h = jax.nn.relu(_leconv(x, src, dst, W1_1, b1_1, W2_1, W3_1, b3_1))
    # dropout(p=0.1) is identity in eval/inference mode
    out = jax.nn.relu(_leconv(h, src, dst, W1_2, b1_2, W2_2, W3_2, b3_2))
    return out

if __name__ == "__main__":
    import jax
    _d = setup_inputs()
    print(jax.jit(kernel)(*tuple(_d.values())))

</pallas_src>

<mosaic_0001>
#map = affine_map<(d0, d1) -> (0, 0)>
#map1 = affine_map<(d0, d1) -> (0, 0, 0)>
module attributes {stable_mosaic.version = 14 : i64} {
  func.func @seg(%arg0: i32, %arg1: i32, %arg2: memref<10000x16xf32, #tpu.memory_space<hbm>>, %arg3: memref<1250x128xi32, #tpu.memory_space<hbm>>, %arg4: memref<1250x128xi32, #tpu.memory_space<hbm>>, %arg5: memref<64x16xf32, #tpu.memory_space<hbm>>, %arg6: memref<2x10240x16xf32, #tpu.memory_space<hbm>>, %arg7: memref<64x128xi32, #tpu.memory_space<vmem>>, %arg8: memref<64x128xi32, #tpu.memory_space<vmem>>, %arg9: memref<128x16xf32, #tpu.memory_space<vmem>>, %arg10: memref<128x16xf32, #tpu.memory_space<vmem>>, %arg11: memref<10240x16xf32, #tpu.memory_space<vmem_shared>>, %arg12: memref<!tpu.dma_semaphore, #tpu.memory_space<semaphore_mem>>, %arg13: memref<!tpu.dma_semaphore, #tpu.memory_space<semaphore_mem>>) attributes {dimension_semantics = [#tpu.dimension_semantics<core_parallel>, #tpu.dimension_semantics<subcore_parallel>], iteration_bounds = array<i64: 2, 16>, scalar_prefetch = 0 : i64, scratch_operands = 7 : i64, tpu.core_type = #tpu.core_type<sc_vector_subcore>, window_params = [{transform_indices = #map}, {transform_indices = #map}, {transform_indices = #map}, {transform_indices = #map}, {transform_indices = #map1}]} {
    %eq3A = arith.constant 0 : i32
    %eq3A_0 = arith.cmpi eq, %arg0, %eq3A : i32
    %min3A = arith.constant 2 : i32
    %min3A_1 = arith.minsi %arg1, %min3A : i32
    %jit3A = arith.constant 0 : i32
    %select_n3A = arith.select %eq3A_0, %jit3A, %min3A_1 : i32
    %mul3A = arith.constant 16 : i32
    %mul3A_2 = arith.muli %arg0, %mul3A : i32
    %add3A = arith.addi %mul3A_2, %arg1 : i32
    %mul3A_3 = arith.constant 39 : i32
    %mul3A_4 = arith.muli %add3A, %mul3A_3 : i32
    %add3A_5 = arith.addi %mul3A_4, %select_n3A : i32
    %min3A_6 = arith.constant 1186 : i32
    %min3A_7 = arith.minsi %add3A_5, %min3A_6 : i32
    %sub3A = arith.subi %add3A_5, %min3A_7 : i32
    %eq3A_8 = arith.constant 1 : i32
    %eq3A_9 = arith.cmpi eq, %arg0, %eq3A_8 : i32
    %lt3A = arith.constant 2 : i32
    %lt3A_10 = arith.cmpi slt, %arg1, %lt3A : i32
    %and3A = arith.andi %eq3A_9, %lt3A_10 : i1
    %jit3A_11 = arith.constant 20 : i32
    %jit3A_12 = arith.constant 19 : i32
    %select_n3A_13 = arith.select %and3A, %jit3A_11, %jit3A_12 : i32
    %not3A = arith.constant true
    %not3A_14 = arith.xori %and3A, %not3A : i1
    %mul3A_15 = arith.constant 640 : i32
    %mul3A_16 = arith.muli %arg1, %mul3A_15 : i32
    "tpu.region"() ({
      %run_scoped3A = tpu.sem_alloc : memref<!tpu.dma_semaphore, #tpu.memory_space<semaphore_mem>>
      %dma_start3A = arith.constant 0 : i32
      %dma_start3A_39 = arith.constant 0 : i32
      %dma_start3A_40 = tpu.memref_slice %arg9[%dma_start3A, %dma_start3A_39] : memref<128x16xf32, #tpu.memory_space<vmem>> -> memref<64x16xf32, #tpu.memory_space<vmem>>
      %dma_start3A_41 = arith.constant 0 : i32
      %dma_start3A_42 = arith.constant 0 : i32
      %dma_start3A_43 = tpu.memref_slice %arg9[%dma_start3A_41, %dma_start3A_42] : memref<128x16xf32, #tpu.memory_space<vmem>> -> memref<64x16xf32, #tpu.memory_space<vmem>>
      tpu.enqueue_dma source(%arg5 : memref<64x16xf32, #tpu.memory_space<hbm>>) target(%dma_start3A_43 : memref<64x16xf32, #tpu.memory_space<vmem>>) target_semaphore(%run_scoped3A : memref<!tpu.dma_semaphore, #tpu.memory_space<semaphore_mem>>)
      %dma_wait3A = arith.constant 0 : i32
      %dma_wait3A_44 = arith.constant 0 : i32
      %dma_wait3A_45 = tpu.memref_slice %arg9[%dma_wait3A, %dma_wait3A_44] : memref<128x16xf32, #tpu.memory_space<vmem>> -> memref<64x16xf32, #tpu.memory_space<vmem>>
      %dma_wait3A_46 = arith.constant 0 : i32
      %dma_wait3A_47 = arith.constant 0 : i32
      %dma_wait3A_48 = tpu.memref_slice %arg9[%dma_wait3A_46, %dma_wait3A_47] : memref<128x16xf32, #tpu.memory_space<vmem>> -> memref<64x16xf32, #tpu.memory_space<vmem>>
      tpu.wait_dma2 semaphore(%run_scoped3A : memref<!tpu.dma_semaphore, #tpu.memory_space<semaphore_mem>>) src(%arg5 : memref<64x16xf32, #tpu.memory_space<hbm>>) dst(%dma_wait3A_48 : memref<64x16xf32, #tpu.memory_space<vmem>>)
      tpu.yield
    }) : () -> ()
    %scan3A = arith.constant 0 : i32
    %scan3A_17 = arith.constant 0 : i32
    %scan3A_18 = arith.constant 10 : i32
    %scan3A_19 = arith.addi %scan3A_17, %scan3A_18 : i32
    %scan3A_20 = arith.constant 1 : i32
    scf.for %scan3A_39 = %scan3A_17 to %scan3A_19 step %scan3A_20  : i32 {
      %mul3A_40 = arith.constant 64 : i32
      %mul3A_41 = arith.muli %scan3A_39, %mul3A_40 : i32
      %add3A_42 = arith.addi %mul3A_16, %mul3A_41 : i32
      "tpu.region"() ({
        %run_scoped3A = tpu.sem_alloc : memref<!tpu.dma_semaphore, #tpu.memory_space<semaphore_mem>>
        %dma_start3A = arith.constant 0 : i32
        %dma_start3A_43 = arith.constant 0 : i32
        %dma_start3A_44 = tpu.memref_slice %arg9[%dma_start3A, %dma_start3A_43] : memref<128x16xf32, #tpu.memory_space<vmem>> -> memref<64x16xf32, #tpu.memory_space<vmem>>
        %dma_start3A_45 = arith.constant 0 : i32
        %dma_start3A_46 = tpu.memref_slice %arg11[%add3A_42, %dma_start3A_45] : memref<10240x16xf32, #tpu.memory_space<vmem_shared>> -> memref<64x16xf32, #tpu.memory_space<vmem_shared>>
        %dma_start3A_47 = arith.constant 0 : i32
        %dma_start3A_48 = tpu.memref_slice %arg11[%add3A_42, %dma_start3A_47] : memref<10240x16xf32, #tpu.memory_space<vmem_shared>> -> memref<64x16xf32, #tpu.memory_space<vmem_shared>>
        %dma_start3A_49 = arith.constant 0 : i32
        %dma_start3A_50 = arith.constant 0 : i32
        %dma_start3A_51 = tpu.memref_slice %arg9[%dma_start3A_49, %dma_start3A_50] : memref<128x16xf32, #tpu.memory_space<vmem>> -> memref<64x16xf32, #tpu.memory_space<vmem>>
        tpu.enqueue_dma source(%dma_start3A_51 : memref<64x16xf32, #tpu.memory_space<vmem>>) target(%dma_start3A_48 : memref<64x16xf32, #tpu.memory_space<vmem_shared>>) target_semaphore(%run_scoped3A : memref<!tpu.dma_semaphore, #tpu.memory_space<semaphore_mem>>)
        %dma_wait3A = arith.constant 0 : i32
        %dma_wait3A_52 = arith.constant 0 : i32
        %dma_wait3A_53 = tpu.memref_slice %arg9[%dma_wait3A, %dma_wait3A_52] : memref<128x16xf32, #tpu.memory_space<vmem>> -> memref<64x16xf32, #tpu.memory_space<vmem>>
        %dma_wait3A_54 = arith.constant 0 : i32
        %dma_wait3A_55 = tpu.memref_slice %arg11[%add3A_42, %dma_wait3A_54] : memref<10240x16xf32, #tpu.memory_space<vmem_shared>> -> memref<64x16xf32, #tpu.memory_space<vmem_shared>>
        %dma_wait3A_56 = arith.constant 0 : i32
        %dma_wait3A_57 = tpu.memref_slice %arg11[%add3A_42, %dma_wait3A_56] : memref<10240x16xf32, #tpu.memory_space<vmem_shared>> -> memref<64x16xf32, #tpu.memory_space<vmem_shared>>
        %dma_wait3A_58 = arith.constant 0 : i32
        %dma_wait3A_59 = arith.constant 0 : i32
        %dma_wait3A_60 = tpu.memref_slice %arg9[%dma_wait3A_58, %dma_wait3A_59] : memref<128x16xf32, #tpu.memory_space<vmem>> -> memref<64x16xf32, #tpu.memory_space<vmem>>
        tpu.wait_dma2 semaphore(%run_scoped3A : memref<!tpu.dma_semaphore, #tpu.memory_space<semaphore_mem>>) src(%dma_wait3A_60 : memref<64x16xf32, #tpu.memory_space<vmem>>) dst(%dma_wait3A_57 : memref<64x16xf32, #tpu.memory_space<vmem_shared>>)
        tpu.yield
      }) : () -> ()
    }
    %scan3A_21 = arith.constant 10 : i32
    "tpu.region"() ({
      %run_scoped3A = tpu.sem_alloc : memref<!tpu.dma_semaphore, #tpu.memory_space<semaphore_mem>>
      %dma_start3A = arith.constant 0 : i32
      %dma_start3A_39 = tpu.memref_slice %arg3[%min3A_7, %dma_start3A] : memref<1250x128xi32, #tpu.memory_space<hbm>> -> memref<64x128xi32, #tpu.memory_space<hbm>>
      %dma_start3A_40 = arith.constant 0 : i32
      %dma_start3A_41 = tpu.memref_slice %arg3[%min3A_7, %dma_start3A_40] : memref<1250x128xi32, #tpu.memory_space<hbm>> -> memref<64x128xi32, #tpu.memory_space<hbm>>
      tpu.enqueue_dma source(%dma_start3A_41 : memref<64x128xi32, #tpu.memory_space<hbm>>) target(%arg7 : memref<64x128xi32, #tpu.memory_space<vmem>>) target_semaphore(%run_scoped3A : memref<!tpu.dma_semaphore, #tpu.memory_space<semaphore_mem>>)
      %dma_wait3A = arith.constant 0 : i32
      %dma_wait3A_42 = tpu.memref_slice %arg3[%min3A_7, %dma_wait3A] : memref<1250x128xi32, #tpu.memory_space<hbm>> -> memref<64x128xi32, #tpu.memory_space<hbm>>
      %dma_wait3A_43 = arith.constant 0 : i32
      %dma_wait3A_44 = tpu.memref_slice %arg3[%min3A_7, %dma_wait3A_43] : memref<1250x128xi32, #tpu.memory_space<hbm>> -> memref<64x128xi32, #tpu.memory_space<hbm>>
      tpu.wait_dma2 semaphore(%run_scoped3A : memref<!tpu.dma_semaphore, #tpu.memory_space<semaphore_mem>>) src(%dma_wait3A_44 : memref<64x128xi32, #tpu.memory_space<hbm>>) dst(%arg7 : memref<64x128xi32, #tpu.memory_space<vmem>>)
      tpu.yield
    }) : () -> ()
    "tpu.region"() ({
      %run_scoped3A = tpu.sem_alloc : memref<!tpu.dma_semaphore, #tpu.memory_space<semaphore_mem>>
      %dma_start3A = arith.constant 0 : i32
      %dma_start3A_39 = tpu.memref_slice %arg4[%min3A_7, %dma_start3A] : memref<1250x128xi32, #tpu.memory_space<hbm>> -> memref<64x128xi32, #tpu.memory_space<hbm>>
      %dma_start3A_40 = arith.constant 0 : i32
      %dma_start3A_41 = tpu.memref_slice %arg4[%min3A_7, %dma_start3A_40] : memref<1250x128xi32, #tpu.memory_space<hbm>> -> memref<64x128xi32, #tpu.memory_space<hbm>>
      tpu.enqueue_dma source(%dma_start3A_41 : memref<64x128xi32, #tpu.memory_space<hbm>>) target(%arg8 : memref<64x128xi32, #tpu.memory_space<vmem>>) target_semaphore(%run_scoped3A : memref<!tpu.dma_semaphore, #tpu.memory_space<semaphore_mem>>)
      %dma_wait3A = arith.constant 0 : i32
      %dma_wait3A_42 = tpu.memref_slice %arg4[%min3A_7, %dma_wait3A] : memref<1250x128xi32, #tpu.memory_space<hbm>> -> memref<64x128xi32, #tpu.memory_space<hbm>>
      %dma_wait3A_43 = arith.constant 0 : i32
      %dma_wait3A_44 = tpu.memref_slice %arg4[%min3A_7, %dma_wait3A_43] : memref<1250x128xi32, #tpu.memory_space<hbm>> -> memref<64x128xi32, #tpu.memory_space<hbm>>
      tpu.wait_dma2 semaphore(%run_scoped3A : memref<!tpu.dma_semaphore, #tpu.memory_space<semaphore_mem>>) src(%dma_wait3A_44 : memref<64x128xi32, #tpu.memory_space<hbm>>) dst(%arg8 : memref<64x128xi32, #tpu.memory_space<vmem>>)
      tpu.yield
    }) : () -> ()
    %barrier3A = arith.constant 0 : index
    tpu.barrier barrier_id(%barrier3A)
    %while3A = arith.constant 0 : i32
    %while3A_22 = arith.constant 0 : i32
    %while3A_23 = arith.subi %select_n3A_13, %while3A_22 : i32
    %while3A_24 = arith.addi %while3A_22, %while3A_23 : i32
    %while3A_25 = arith.constant 1 : i32
    %while3A_26 = arith.divsi %while3A_23, %while3A_25 : i32
    %while3A_27 = arith.muli %while3A_26, %while3A_25 : i32
    %while3A_28 = arith.addi %while3A_22, %while3A_27 : i32
    %while3A_29 = arith.constant 1 : i32
    scf.for %while3A_39 = %while3A_22 to %while3A_28 step %while3A_29  : i32 {
      %mul3A_40 = arith.constant 2 : i32
      %mul3A_41 = arith.muli %mul3A_40, %while3A_39 : i32
      %add3A_42 = arith.addi %sub3A, %mul3A_41 : i32
      %mul3A_43 = arith.constant 2 : i32
      %mul3A_44 = arith.muli %mul3A_43, %while3A_39 : i32
      %add3A_45 = arith.addi %sub3A, %mul3A_44 : i32
      %add3A_46 = arith.constant 1 : i32
      %add3A_47 = arith.addi %add3A_45, %add3A_46 : i32
      %dma_start3A = arith.constant 0 : i32
      %dma_start3A_48 = tpu.memref_slice %arg7[%add3A_42, %dma_start3A] : memref<64x128xi32, #tpu.memory_space<vmem>> -> memref<1x128xi32, #tpu.memory_space<vmem>>
      %dma_start3A_49 = tpu.memref_squeeze %dma_start3A_48 : memref<1x128xi32, #tpu.memory_space<vmem>> -> memref<128xi32, #tpu.memory_space<vmem>>
      %dma_start3A_50 = arith.constant 0 : i32
      %dma_start3A_51 = arith.constant 0 : i32
      %dma_start3A_52 = tpu.memref_slice %arg2[%dma_start3A_50, %dma_start3A_51] : memref<10000x16xf32, #tpu.memory_space<hbm>> -> memref<10000x16xf32, #tpu.memory_space<hbm>>
      tpu.enqueue_indirect_dma source(%dma_start3A_52 : memref<10000x16xf32, #tpu.memory_space<hbm>>) target(%arg9 : memref<128x16xf32, #tpu.memory_space<vmem>>) offsets(%dma_start3A_49 : memref<128xi32, #tpu.memory_space<vmem>>) semaphore(%arg12 : memref<!tpu.dma_semaphore, #tpu.memory_space<semaphore_mem>>)
      %dma_start3A_53 = arith.constant 0 : i32
      %dma_start3A_54 = tpu.memref_slice %arg7[%add3A_47, %dma_start3A_53] : memref<64x128xi32, #tpu.memory_space<vmem>> -> memref<1x128xi32, #tpu.memory_space<vmem>>
      %dma_start3A_55 = tpu.memref_squeeze %dma_start3A_54 : memref<1x128xi32, #tpu.memory_space<vmem>> -> memref<128xi32, #tpu.memory_space<vmem>>
      %dma_start3A_56 = arith.constant 0 : i32
      %dma_start3A_57 = arith.constant 0 : i32
      %dma_start3A_58 = tpu.memref_slice %arg2[%dma_start3A_56, %dma_start3A_57] : memref<10000x16xf32, #tpu.memory_space<hbm>> -> memref<10000x16xf32, #tpu.memory_space<hbm>>
      tpu.enqueue_indirect_dma source(%dma_start3A_58 : memref<10000x16xf32, #tpu.memory_space<hbm>>) target(%arg10 : memref<128x16xf32, #tpu.memory_space<vmem>>) offsets(%dma_start3A_55 : memref<128xi32, #tpu.memory_space<vmem>>) semaphore(%arg13 : memref<!tpu.dma_semaphore, #tpu.memory_space<semaphore_mem>>)
      %dma_wait3A = arith.constant 0 : i32
      %dma_wait3A_59 = tpu.memref_slice %arg7[%add3A_42, %dma_wait3A] : memref<64x128xi32, #tpu.memory_space<vmem>> -> memref<1x128xi32, #tpu.memory_space<vmem>>
      %dma_wait3A_60 = tpu.memref_squeeze %dma_wait3A_59 : memref<1x128xi32, #tpu.memory_space<vmem>> -> memref<128xi32, #tpu.memory_space<vmem>>
      %dma_wait3A_61 = arith.constant 0 : i32
      %dma_wait3A_62 = arith.constant 0 : i32
      %dma_wait3A_63 = tpu.memref_slice %arg2[%dma_wait3A_61, %dma_wait3A_62] : memref<10000x16xf32, #tpu.memory_space<hbm>> -> memref<10000x16xf32, #tpu.memory_space<hbm>>
      tpu.wait_indirect_dma semaphore(%arg12 : memref<!tpu.dma_semaphore, #tpu.memory_space<semaphore_mem>>) src(%dma_wait3A_63 : memref<10000x16xf32, #tpu.memory_space<hbm>>) dst(%arg9 : memref<128x16xf32, #tpu.memory_space<vmem>>)
      "tpu.region"() ({
        %run_scoped3A = tpu.sem_alloc : memref<!tpu.dma_semaphore, #tpu.memory_space<semaphore_mem>>
        %dma_start3A_70 = arith.constant 0 : i32
        %dma_start3A_71 = tpu.memref_slice %arg8[%add3A_42, %dma_start3A_70] : memref<64x128xi32, #tpu.memory_space<vmem>> -> memref<1x128xi32, #tpu.memory_space<vmem>>
        %dma_start3A_72 = tpu.memref_squeeze %dma_start3A_71 : memref<1x128xi32, #tpu.memory_space<vmem>> -> memref<128xi32, #tpu.memory_space<vmem>>
        %dma_start3A_73 = arith.constant 0 : i32
        %dma_start3A_74 = arith.constant 0 : i32
        %dma_start3A_75 = tpu.memref_slice %arg11[%dma_start3A_73, %dma_start3A_74] : memref<10240x16xf32, #tpu.memory_space<vmem_shared>> -> memref<10240x16xf32, #tpu.memory_space<vmem_shared>>
        tpu.enqueue_indirect_dma source(%arg9 : memref<128x16xf32, #tpu.memory_space<vmem>>) target(%dma_start3A_75 : memref<10240x16xf32, #tpu.memory_space<vmem_shared>>) offsets(%dma_start3A_72 : memref<128xi32, #tpu.memory_space<vmem>>) semaphore(%run_scoped3A : memref<!tpu.dma_semaphore, #tpu.memory_space<semaphore_mem>>) {add = true}
        %dma_wait3A_76 = arith.constant 0 : i32
        %dma_wait3A_77 = tpu.memref_slice %arg8[%add3A_42, %dma_wait3A_76] : memref<64x128xi32, #tpu.memory_space<vmem>> -> memref<1x128xi32, #tpu.memory_space<vmem>>
        %dma_wait3A_78 = tpu.memref_squeeze %dma_wait3A_77 : memref<1x128xi32, #tpu.memory_space<vmem>> -> memref<128xi32, #tpu.memory_space<vmem>>
        %dma_wait3A_79 = arith.constant 0 : i32
        %dma_wait3A_80 = arith.constant 0 : i32
        %dma_wait3A_81 = tpu.memref_slice %arg11[%dma_wait3A_79, %dma_wait3A_80] : memref<10240x16xf32, #tpu.memory_space<vmem_shared>> -> memref<10240x16xf32, #tpu.memory_space<vmem_shared>>
        tpu.wait_indirect_dma semaphore(%run_scoped3A : memref<!tpu.dma_semaphore, #tpu.memory_space<semaphore_mem>>) src(%arg9 : memref<128x16xf32, #tpu.memory_space<vmem>>) dst(%dma_wait3A_81 : memref<10240x16xf32, #tpu.memory_space<vmem_shared>>)
        tpu.yield
      }) : () -> ()
      %dma_wait3A_64 = arith.constant 0 : i32
      %dma_wait3A_65 = tpu.memref_slice %arg7[%add3A_47, %dma_wait3A_64] : memref<64x128xi32, #tpu.memory_space<vmem>> -> memref<1x128xi32, #tpu.memory_space<vmem>>
      %dma_wait3A_66 = tpu.memref_squeeze %dma_wait3A_65 : memref<1x128xi32, #tpu.memory_space<vmem>> -> memref<128xi32, #tpu.memory_space<vmem>>
      %dma_wait3A_67 = arith.constant 0 : i32
      %dma_wait3A_68 = arith.constant 0 : i32
      %dma_wait3A_69 = tpu.memref_slice %arg2[%dma_wait3A_67, %dma_wait3A_68] : memref<10000x16xf32, #tpu.memory_space<hbm>> -> memref<10000x16xf32, #tpu.memory_space<hbm>>
      tpu.wait_indirect_dma semaphore(%arg13 : memref<!tpu.dma_semaphore, #tpu.memory_space<semaphore_mem>>) src(%dma_wait3A_69 : memref<10000x16xf32, #tpu.memory_space<hbm>>) dst(%arg10 : memref<128x16xf32, #tpu.memory_space<vmem>>)
      "tpu.region"() ({
        %run_scoped3A = tpu.sem_alloc : memref<!tpu.dma_semaphore, #tpu.memory_space<semaphore_mem>>
        %dma_start3A_70 = arith.constant 0 : i32
        %dma_start3A_71 = tpu.memref_slice %arg8[%add3A_47, %dma_start3A_70] : memref<64x128xi32, #tpu.memory_space<vmem>> -> memref<1x128xi32, #tpu.memory_space<vmem>>
        %dma_start3A_72 = tpu.memref_squeeze %dma_start3A_71 : memref<1x128xi32, #tpu.memory_space<vmem>> -> memref<128xi32, #tpu.memory_space<vmem>>
        %dma_start3A_73 = arith.constant 0 : i32
        %dma_start3A_74 = arith.constant 0 : i32
        %dma_start3A_75 = tpu.memref_slice %arg11[%dma_start3A_73, %dma_start3A_74] : memref<10240x16xf32, #tpu.memory_space<vmem_shared>> -> memref<10240x16xf32, #tpu.memory_space<vmem_shared>>
        tpu.enqueue_indirect_dma source(%arg10 : memref<128x16xf32, #tpu.memory_space<vmem>>) target(%dma_start3A_75 : memref<10240x16xf32, #tpu.memory_space<vmem_shared>>) offsets(%dma_start3A_72 : memref<128xi32, #tpu.memory_space<vmem>>) semaphore(%run_scoped3A : memref<!tpu.dma_semaphore, #tpu.memory_space<semaphore_mem>>) {add = true}
        %dma_wait3A_76 = arith.constant 0 : i32
        %dma_wait3A_77 = tpu.memref_slice %arg8[%add3A_47, %dma_wait3A_76] : memref<64x128xi32, #tpu.memory_space<vmem>> -> memref<1x128xi32, #tpu.memory_space<vmem>>
        %dma_wait3A_78 = tpu.memref_squeeze %dma_wait3A_77 : memref<1x128xi32, #tpu.memory_space<vmem>> -> memref<128xi32, #tpu.memory_space<vmem>>
        %dma_wait3A_79 = arith.constant 0 : i32
        %dma_wait3A_80 = arith.constant 0 : i32
        %dma_wait3A_81 = tpu.memref_slice %arg11[%dma_wait3A_79, %dma_wait3A_80] : memref<10240x16xf32, #tpu.memory_space<vmem_shared>> -> memref<10240x16xf32, #tpu.memory_space<vmem_shared>>
        tpu.wait_indirect_dma semaphore(%run_scoped3A : memref<!tpu.dma_semaphore, #tpu.memory_space<semaphore_mem>>) src(%arg10 : memref<128x16xf32, #tpu.memory_space<vmem>>) dst(%dma_wait3A_81 : memref<10240x16xf32, #tpu.memory_space<vmem_shared>>)
        tpu.yield
      }) : () -> ()
    }
    %while3A_30 = arith.constant 1 : i32
    scf.for %while3A_39 = %while3A_28 to %while3A_24 step %while3A_30  : i32 {
      %mul3A_40 = arith.constant 2 : i32
      %mul3A_41 = arith.muli %mul3A_40, %while3A_39 : i32
      %add3A_42 = arith.addi %sub3A, %mul3A_41 : i32
      %mul3A_43 = arith.constant 2 : i32
      %mul3A_44 = arith.muli %mul3A_43, %while3A_39 : i32
      %add3A_45 = arith.addi %sub3A, %mul3A_44 : i32
      %add3A_46 = arith.constant 1 : i32
      %add3A_47 = arith.addi %add3A_45, %add3A_46 : i32
      %dma_start3A = arith.constant 0 : i32
      %dma_start3A_48 = tpu.memref_slice %arg7[%add3A_42, %dma_start3A] : memref<64x128xi32, #tpu.memory_space<vmem>> -> memref<1x128xi32, #tpu.memory_space<vmem>>
      %dma_start3A_49 = tpu.memref_squeeze %dma_start3A_48 : memref<1x128xi32, #tpu.memory_space<vmem>> -> memref<128xi32, #tpu.memory_space<vmem>>
      %dma_start3A_50 = arith.constant 0 : i32
      %dma_start3A_51 = arith.constant 0 : i32
      %dma_start3A_52 = tpu.memref_slice %arg2[%dma_start3A_50, %dma_start3A_51] : memref<10000x16xf32, #tpu.memory_space<hbm>> -> memref<10000x16xf32, #tpu.memory_space<hbm>>
      tpu.enqueue_indirect_dma source(%dma_start3A_52 : memref<10000x16xf32, #tpu.memory_space<hbm>>) target(%arg9 : memref<128x16xf32, #tpu.memory_space<vmem>>) offsets(%dma_start3A_49 : memref<128xi32, #tpu.memory_space<vmem>>) semaphore(%arg12 : memref<!tpu.dma_semaphore, #tpu.memory_space<semaphore_mem>>)
      %dma_start3A_53 = arith.constant 0 : i32
      %dma_start3A_54 = tpu.memref_slice %arg7[%add3A_47, %dma_start3A_53] : memref<64x128xi32, #tpu.memory_space<vmem>> -> memref<1x128xi32, #tpu.memory_space<vmem>>
      %dma_start3A_55 = tpu.memref_squeeze %dma_start3A_54 : memref<1x128xi32, #tpu.memory_space<vmem>> -> memref<128xi32, #tpu.memory_space<vmem>>
      %dma_start3A_56 = arith.constant 0 : i32
      %dma_start3A_57 = arith.constant 0 : i32
      %dma_start3A_58 = tpu.memref_slice %arg2[%dma_start3A_56, %dma_start3A_57] : memref<10000x16xf32, #tpu.memory_space<hbm>> -> memref<10000x16xf32, #tpu.memory_space<hbm>>
      tpu.enqueue_indirect_dma source(%dma_start3A_58 : memref<10000x16xf32, #tpu.memory_space<hbm>>) target(%arg10 : memref<128x16xf32, #tpu.memory_space<vmem>>) offsets(%dma_start3A_55 : memref<128xi32, #tpu.memory_space<vmem>>) semaphore(%arg13 : memref<!tpu.dma_semaphore, #tpu.memory_space<semaphore_mem>>)
      %dma_wait3A = arith.constant 0 : i32
      %dma_wait3A_59 = tpu.memref_slice %arg7[%add3A_42, %dma_wait3A] : memref<64x128xi32, #tpu.memory_space<vmem>> -> memref<1x128xi32, #tpu.memory_space<vmem>>
      %dma_wait3A_60 = tpu.memref_squeeze %dma_wait3A_59 : memref<1x128xi32, #tpu.memory_space<vmem>> -> memref<128xi32, #tpu.memory_space<vmem>>
      %dma_wait3A_61 = arith.constant 0 : i32
      %dma_wait3A_62 = arith.constant 0 : i32
      %dma_wait3A_63 = tpu.memref_slice %arg2[%dma_wait3A_61, %dma_wait3A_62] : memref<10000x16xf32, #tpu.memory_space<hbm>> -> memref<10000x16xf32, #tpu.memory_space<hbm>>
      tpu.wait_indirect_dma semaphore(%arg12 : memref<!tpu.dma_semaphore, #tpu.memory_space<semaphore_mem>>) src(%dma_wait3A_63 : memref<10000x16xf32, #tpu.memory_space<hbm>>) dst(%arg9 : memref<128x16xf32, #tpu.memory_space<vmem>>)
      "tpu.region"() ({
        %run_scoped3A = tpu.sem_alloc : memref<!tpu.dma_semaphore, #tpu.memory_space<semaphore_mem>>
        %dma_start3A_70 = arith.constant 0 : i32
        %dma_start3A_71 = tpu.memref_slice %arg8[%add3A_42, %dma_start3A_70] : memref<64x128xi32, #tpu.memory_space<vmem>> -> memref<1x128xi32, #tpu.memory_space<vmem>>
        %dma_start3A_72 = tpu.memref_squeeze %dma_start3A_71 : memref<1x128xi32, #tpu.memory_space<vmem>> -> memref<128xi32, #tpu.memory_space<vmem>>
        %dma_start3A_73 = arith.constant 0 : i32
        %dma_start3A_74 = arith.constant 0 : i32
        %dma_start3A_75 = tpu.memref_slice %arg11[%dma_start3A_73, %dma_start3A_74] : memref<10240x16xf32, #tpu.memory_space<vmem_shared>> -> memref<10240x16xf32, #tpu.memory_space<vmem_shared>>
        tpu.enqueue_indirect_dma source(%arg9 : memref<128x16xf32, #tpu.memory_space<vmem>>) target(%dma_start3A_75 : memref<10240x16xf32, #tpu.memory_space<vmem_shared>>) offsets(%dma_start3A_72 : memref<128xi32, #tpu.memory_space<vmem>>) semaphore(%run_scoped3A : memref<!tpu.dma_semaphore, #tpu.memory_space<semaphore_mem>>) {add = true}
        %dma_wait3A_76 = arith.constant 0 : i32
        %dma_wait3A_77 = tpu.memref_slice %arg8[%add3A_42, %dma_wait3A_76] : memref<64x128xi32, #tpu.memory_space<vmem>> -> memref<1x128xi32, #tpu.memory_space<vmem>>
        %dma_wait3A_78 = tpu.memref_squeeze %dma_wait3A_77 : memref<1x128xi32, #tpu.memory_space<vmem>> -> memref<128xi32, #tpu.memory_space<vmem>>
        %dma_wait3A_79 = arith.constant 0 : i32
        %dma_wait3A_80 = arith.constant 0 : i32
        %dma_wait3A_81 = tpu.memref_slice %arg11[%dma_wait3A_79, %dma_wait3A_80] : memref<10240x16xf32, #tpu.memory_space<vmem_shared>> -> memref<10240x16xf32, #tpu.memory_space<vmem_shared>>
        tpu.wait_indirect_dma semaphore(%run_scoped3A : memref<!tpu.dma_semaphore, #tpu.memory_space<semaphore_mem>>) src(%arg9 : memref<128x16xf32, #tpu.memory_space<vmem>>) dst(%dma_wait3A_81 : memref<10240x16xf32, #tpu.memory_space<vmem_shared>>)
        tpu.yield
      }) : () -> ()
      %dma_wait3A_64 = arith.constant 0 : i32
      %dma_wait3A_65 = tpu.memref_slice %arg7[%add3A_47, %dma_wait3A_64] : memref<64x128xi32, #tpu.memory_space<vmem>> -> memref<1x128xi32, #tpu.memory_space<vmem>>
      %dma_wait3A_66 = tpu.memref_squeeze %dma_wait3A_65 : memref<1x128xi32, #tpu.memory_space<vmem>> -> memref<128xi32, #tpu.memory_space<vmem>>
      %dma_wait3A_67 = arith.constant 0 : i32
      %dma_wait3A_68 = arith.constant 0 : i32
      %dma_wait3A_69 = tpu.memref_slice %arg2[%dma_wait3A_67, %dma_wait3A_68] : memref<10000x16xf32, #tpu.memory_space<hbm>> -> memref<10000x16xf32, #tpu.memory_space<hbm>>
      tpu.wait_indirect_dma semaphore(%arg13 : memref<!tpu.dma_semaphore, #tpu.memory_space<semaphore_mem>>) src(%dma_wait3A_69 : memref<10000x16xf32, #tpu.memory_space<hbm>>) dst(%arg10 : memref<128x16xf32, #tpu.memory_space<vmem>>)
      "tpu.region"() ({
        %run_scoped3A = tpu.sem_alloc : memref<!tpu.dma_semaphore, #tpu.memory_space<semaphore_mem>>
        %dma_start3A_70 = arith.constant 0 : i32
        %dma_start3A_71 = tpu.memref_slice %arg8[%add3A_47, %dma_start3A_70] : memref<64x128xi32, #tpu.memory_space<vmem>> -> memref<1x128xi32, #tpu.memory_space<vmem>>
        %dma_start3A_72 = tpu.memref_squeeze %dma_start3A_71 : memref<1x128xi32, #tpu.memory_space<vmem>> -> memref<128xi32, #tpu.memory_space<vmem>>
        %dma_start3A_73 = arith.constant 0 : i32
        %dma_start3A_74 = arith.constant 0 : i32
        %dma_start3A_75 = tpu.memref_slice %arg11[%dma_start3A_73, %dma_start3A_74] : memref<10240x16xf32, #tpu.memory_space<vmem_shared>> -> memref<10240x16xf32, #tpu.memory_space<vmem_shared>>
        tpu.enqueue_indirect_dma source(%arg10 : memref<128x16xf32, #tpu.memory_space<vmem>>) target(%dma_start3A_75 : memref<10240x16xf32, #tpu.memory_space<vmem_shared>>) offsets(%dma_start3A_72 : memref<128xi32, #tpu.memory_space<vmem>>) semaphore(%run_scoped3A : memref<!tpu.dma_semaphore, #tpu.memory_space<semaphore_mem>>) {add = true}
        %dma_wait3A_76 = arith.constant 0 : i32
        %dma_wait3A_77 = tpu.memref_slice %arg8[%add3A_47, %dma_wait3A_76] : memref<64x128xi32, #tpu.memory_space<vmem>> -> memref<1x128xi32, #tpu.memory_space<vmem>>
        %dma_wait3A_78 = tpu.memref_squeeze %dma_wait3A_77 : memref<1x128xi32, #tpu.memory_space<vmem>> -> memref<128xi32, #tpu.memory_space<vmem>>
        %dma_wait3A_79 = arith.constant 0 : i32
        %dma_wait3A_80 = arith.constant 0 : i32
        %dma_wait3A_81 = tpu.memref_slice %arg11[%dma_wait3A_79, %dma_wait3A_80] : memref<10240x16xf32, #tpu.memory_space<vmem_shared>> -> memref<10240x16xf32, #tpu.memory_space<vmem_shared>>
        tpu.wait_indirect_dma semaphore(%run_scoped3A : memref<!tpu.dma_semaphore, #tpu.memory_space<semaphore_mem>>) src(%arg10 : memref<128x16xf32, #tpu.memory_space<vmem>>) dst(%dma_wait3A_81 : memref<10240x16xf32, #tpu.memory_space<vmem_shared>>)
        tpu.yield
      }) : () -> ()
    }
    %convert_element_type3A = arith.extui %not3A_14 : i1 to i32
    %cond3A = arith.constant 0 : i32
    %cond3A_31 = arith.cmpi ne, %convert_element_type3A, %cond3A : i32
    scf.if %cond3A_31 {
      %mul3A_39 = arith.constant 2 : i32
      %mul3A_40 = arith.muli %mul3A_39, %select_n3A_13 : i32
      %add3A_41 = arith.addi %sub3A, %mul3A_40 : i32
      %dma_start3A = arith.constant 0 : i32
      %dma_start3A_42 = tpu.memref_slice %arg7[%add3A_41, %dma_start3A] : memref<64x128xi32, #tpu.memory_space<vmem>> -> memref<1x128xi32, #tpu.memory_space<vmem>>
      %dma_start3A_43 = tpu.memref_squeeze %dma_start3A_42 : memref<1x128xi32, #tpu.memory_space<vmem>> -> memref<128xi32, #tpu.memory_space<vmem>>
      %dma_start3A_44 = arith.constant 0 : i32
      %dma_start3A_45 = arith.constant 0 : i32
      %dma_start3A_46 = tpu.memref_slice %arg2[%dma_start3A_44, %dma_start3A_45] : memref<10000x16xf32, #tpu.memory_space<hbm>> -> memref<10000x16xf32, #tpu.memory_space<hbm>>
      tpu.enqueue_indirect_dma source(%dma_start3A_46 : memref<10000x16xf32, #tpu.memory_space<hbm>>) target(%arg9 : memref<128x16xf32, #tpu.memory_space<vmem>>) offsets(%dma_start3A_43 : memref<128xi32, #tpu.memory_space<vmem>>) semaphore(%arg12 : memref<!tpu.dma_semaphore, #tpu.memory_space<semaphore_mem>>)
      %dma_wait3A = arith.constant 0 : i32
      %dma_wait3A_47 = tpu.memref_slice %arg7[%add3A_41, %dma_wait3A] : memref<64x128xi32, #tpu.memory_space<vmem>> -> memref<1x128xi32, #tpu.memory_space<vmem>>
      %dma_wait3A_48 = tpu.memref_squeeze %dma_wait3A_47 : memref<1x128xi32, #tpu.memory_space<vmem>> -> memref<128xi32, #tpu.memory_space<vmem>>
      %dma_wait3A_49 = arith.constant 0 : i32
      %dma_wait3A_50 = arith.constant 0 : i32
      %dma_wait3A_51 = tpu.memref_slice %arg2[%dma_wait3A_49, %dma_wait3A_50] : memref<10000x16xf32, #tpu.memory_space<hbm>> -> memref<10000x16xf32, #tpu.memory_space<hbm>>
      tpu.wait_indirect_dma semaphore(%arg12 : memref<!tpu.dma_semaphore, #tpu.memory_space<semaphore_mem>>) src(%dma_wait3A_51 : memref<10000x16xf32, #tpu.memory_space<hbm>>) dst(%arg9 : memref<128x16xf32, #tpu.memory_space<vmem>>)
      "tpu.region"() ({
        %run_scoped3A = tpu.sem_alloc : memref<!tpu.dma_semaphore, #tpu.memory_space<semaphore_mem>>
        %dma_start3A_52 = arith.constant 0 : i32
        %dma_start3A_53 = tpu.memref_slice %arg8[%add3A_41, %dma_start3A_52] : memref<64x128xi32, #tpu.memory_space<vmem>> -> memref<1x128xi32, #tpu.memory_space<vmem>>
        %dma_start3A_54 = tpu.memref_squeeze %dma_start3A_53 : memref<1x128xi32, #tpu.memory_space<vmem>> -> memref<128xi32, #tpu.memory_space<vmem>>
        %dma_start3A_55 = arith.constant 0 : i32
        %dma_start3A_56 = arith.constant 0 : i32
        %dma_start3A_57 = tpu.memref_slice %arg11[%dma_start3A_55, %dma_start3A_56] : memref<10240x16xf32, #tpu.memory_space<vmem_shared>> -> memref<10240x16xf32, #tpu.memory_space<vmem_shared>>
        tpu.enqueue_indirect_dma source(%arg9 : memref<128x16xf32, #tpu.memory_space<vmem>>) target(%dma_start3A_57 : memref<10240x16xf32, #tpu.memory_space<vmem_shared>>) offsets(%dma_start3A_54 : memref<128xi32, #tpu.memory_space<vmem>>) semaphore(%run_scoped3A : memref<!tpu.dma_semaphore, #tpu.memory_space<semaphore_mem>>) {add = true}
        %dma_wait3A_58 = arith.constant 0 : i32
        %dma_wait3A_59 = tpu.memref_slice %arg8[%add3A_41, %dma_wait3A_58] : memref<64x128xi32, #tpu.memory_space<vmem>> -> memref<1x128xi32, #tpu.memory_space<vmem>>
        %dma_wait3A_60 = tpu.memref_squeeze %dma_wait3A_59 : memref<1x128xi32, #tpu.memory_space<vmem>> -> memref<128xi32, #tpu.memory_space<vmem>>
        %dma_wait3A_61 = arith.constant 0 : i32
        %dma_wait3A_62 = arith.constant 0 : i32
        %dma_wait3A_63 = tpu.memref_slice %arg11[%dma_wait3A_61, %dma_wait3A_62] : memref<10240x16xf32, #tpu.memory_space<vmem_shared>> -> memref<10240x16xf32, #tpu.memory_space<vmem_shared>>
        tpu.wait_indirect_dma semaphore(%run_scoped3A : memref<!tpu.dma_semaphore, #tpu.memory_space<semaphore_mem>>) src(%arg9 : memref<128x16xf32, #tpu.memory_space<vmem>>) dst(%dma_wait3A_63 : memref<10240x16xf32, #tpu.memory_space<vmem_shared>>)
        tpu.yield
      }) : () -> ()
    } else {
    }
    %barrier3A_32 = arith.constant 0 : index
    tpu.barrier barrier_id(%barrier3A_32)
    %scan3A_33 = arith.constant 0 : i32
    %scan3A_34 = arith.constant 0 : i32
    %scan3A_35 = arith.constant 10 : i32
    %scan3A_36 = arith.addi %scan3A_34, %scan3A_35 : i32
    %scan3A_37 = arith.constant 1 : i32
    scf.for %scan3A_39 = %scan3A_34 to %scan3A_36 step %scan3A_37  : i32 {
      %mul3A_40 = arith.constant 64 : i32
      %mul3A_41 = arith.muli %scan3A_39, %mul3A_40 : i32
      %add3A_42 = arith.addi %mul3A_16, %mul3A_41 : i32
      "tpu.region"() ({
        %run_scoped3A = tpu.sem_alloc : memref<!tpu.dma_semaphore, #tpu.memory_space<semaphore_mem>>
        %dma_start3A = arith.constant 0 : i32
        %dma_start3A_46 = arith.constant 0 : i32
        %dma_start3A_47 = tpu.memref_slice %arg9[%dma_start3A, %dma_start3A_46] : memref<128x16xf32, #tpu.memory_space<vmem>> -> memref<64x16xf32, #tpu.memory_space<vmem>>
        %dma_start3A_48 = arith.constant 0 : i32
        %dma_start3A_49 = tpu.memref_slice %arg11[%add3A_42, %dma_start3A_48] : memref<10240x16xf32, #tpu.memory_space<vmem_shared>> -> memref<64x16xf32, #tpu.memory_space<vmem_shared>>
        %dma_start3A_50 = arith.constant 0 : i32
        %dma_start3A_51 = arith.constant 0 : i32
        %dma_start3A_52 = tpu.memref_slice %arg9[%dma_start3A_50, %dma_start3A_51] : memref<128x16xf32, #tpu.memory_space<vmem>> -> memref<64x16xf32, #tpu.memory_space<vmem>>
        %dma_start3A_53 = arith.constant 0 : i32
        %dma_start3A_54 = tpu.memref_slice %arg11[%add3A_42, %dma_start3A_53] : memref<10240x16xf32, #tpu.memory_space<vmem_shared>> -> memref<64x16xf32, #tpu.memory_space<vmem_shared>>
        tpu.enqueue_dma source(%dma_start3A_54 : memref<64x16xf32, #tpu.memory_space<vmem_shared>>) target(%dma_start3A_52 : memref<64x16xf32, #tpu.memory_space<vmem>>) target_semaphore(%run_scoped3A : memref<!tpu.dma_semaphore, #tpu.memory_space<semaphore_mem>>)
        %dma_wait3A = arith.constant 0 : i32
        %dma_wait3A_55 = arith.constant 0 : i32
        %dma_wait3A_56 = tpu.memref_slice %arg9[%dma_wait3A, %dma_wait3A_55] : memref<128x16xf32, #tpu.memory_space<vmem>> -> memref<64x16xf32, #tpu.memory_space<vmem>>
        %dma_wait3A_57 = arith.constant 0 : i32
        %dma_wait3A_58 = tpu.memref_slice %arg11[%add3A_42, %dma_wait3A_57] : memref<10240x16xf32, #tpu.memory_space<vmem_shared>> -> memref<64x16xf32, #tpu.memory_space<vmem_shared>>
        %dma_wait3A_59 = arith.constant 0 : i32
        %dma_wait3A_60 = arith.constant 0 : i32
        %dma_wait3A_61 = tpu.memref_slice %arg9[%dma_wait3A_59, %dma_wait3A_60] : memref<128x16xf32, #tpu.memory_space<vmem>> -> memref<64x16xf32, #tpu.memory_space<vmem>>
        %dma_wait3A_62 = arith.constant 0 : i32
        %dma_wait3A_63 = tpu.memref_slice %arg11[%add3A_42, %dma_wait3A_62] : memref<10240x16xf32, #tpu.memory_space<vmem_shared>> -> memref<64x16xf32, #tpu.memory_space<vmem_shared>>
        tpu.wait_dma2 semaphore(%run_scoped3A : memref<!tpu.dma_semaphore, #tpu.memory_space<semaphore_mem>>) src(%dma_wait3A_63 : memref<64x16xf32, #tpu.memory_space<vmem_shared>>) dst(%dma_wait3A_61 : memref<64x16xf32, #tpu.memory_space<vmem>>)
        tpu.yield
      }) : () -> ()
      %mul3A_43 = arith.constant 64 : i32
      %mul3A_44 = arith.muli %scan3A_39, %mul3A_43 : i32
      %add3A_45 = arith.addi %mul3A_16, %mul3A_44 : i32
      "tpu.region"() ({
        %run_scoped3A = tpu.sem_alloc : memref<!tpu.dma_semaphore, #tpu.memory_space<semaphore_mem>>
        %dma_start3A = arith.constant 0 : i32
        %dma_start3A_46 = arith.constant 0 : i32
        %dma_start3A_47 = tpu.memref_slice %arg9[%dma_start3A, %dma_start3A_46] : memref<128x16xf32, #tpu.memory_space<vmem>> -> memref<64x16xf32, #tpu.memory_space<vmem>>
        %dma_start3A_48 = arith.constant 0 : i32
        %dma_start3A_49 = tpu.memref_slice %arg6[%arg0, %add3A_45, %dma_start3A_48] : memref<2x10240x16xf32, #tpu.memory_space<hbm>> -> memref<1x64x16xf32, #tpu.memory_space<hbm>>
        %dma_start3A_50 = tpu.memref_squeeze %dma_start3A_49 : memref<1x64x16xf32, #tpu.memory_space<hbm>> -> memref<64x16xf32, #tpu.memory_space<hbm>>
        %dma_start3A_51 = arith.constant 0 : i32
        %dma_start3A_52 = tpu.memref_slice %arg6[%arg0, %add3A_45, %dma_start3A_51] : memref<2x10240x16xf32, #tpu.memory_space<hbm>> -> memref<1x64x16xf32, #tpu.memory_space<hbm>>
        %dma_start3A_53 = tpu.memref_squeeze %dma_start3A_52 : memref<1x64x16xf32, #tpu.memory_space<hbm>> -> memref<64x16xf32, #tpu.memory_space<hbm>>
        %dma_start3A_54 = arith.constant 0 : i32
        %dma_start3A_55 = arith.constant 0 : i32
        %dma_start3A_56 = tpu.memref_slice %arg9[%dma_start3A_54, %dma_start3A_55] : memref<128x16xf32, #tpu.memory_space<vmem>> -> memref<64x16xf32, #tpu.memory_space<vmem>>
        tpu.enqueue_dma source(%dma_start3A_56 : memref<64x16xf32, #tpu.memory_space<vmem>>) target(%dma_start3A_53 : memref<64x16xf32, #tpu.memory_space<hbm>>) target_semaphore(%run_scoped3A : memref<!tpu.dma_semaphore, #tpu.memory_space<semaphore_mem>>)
        %dma_wait3A = arith.constant 0 : i32
        %dma_wait3A_57 = arith.constant 0 : i32
        %dma_wait3A_58 = tpu.memref_slice %arg9[%dma_wait3A, %dma_wait3A_57] : memref<128x16xf32, #tpu.memory_space<vmem>> -> memref<64x16xf32, #tpu.memory_space<vmem>>
        %dma_wait3A_59 = arith.constant 0 : i32
        %dma_wait3A_60 = tpu.memref_slice %arg6[%arg0, %add3A_45, %dma_wait3A_59] : memref<2x10240x16xf32, #tpu.memory_space<hbm>> -> memref<1x64x16xf32, #tpu.memory_space<hbm>>
        %dma_wait3A_61 = tpu.memref_squeeze %dma_wait3A_60 : memref<1x64x16xf32, #tpu.memory_space<hbm>> -> memref<64x16xf32, #tpu.memory_space<hbm>>
        %dma_wait3A_62 = arith.constant 0 : i32
        %dma_wait3A_63 = tpu.memref_slice %arg6[%arg0, %add3A_45, %dma_wait3A_62] : memref<2x10240x16xf32, #tpu.memory_space<hbm>> -> memref<1x64x16xf32, #tpu.memory_space<hbm>>
        %dma_wait3A_64 = tpu.memref_squeeze %dma_wait3A_63 : memref<1x64x16xf32, #tpu.memory_space<hbm>> -> memref<64x16xf32, #tpu.memory_space<hbm>>
        %dma_wait3A_65 = arith.constant 0 : i32
        %dma_wait3A_66 = arith.constant 0 : i32
        %dma_wait3A_67 = tpu.memref_slice %arg9[%dma_wait3A_65, %dma_wait3A_66] : memref<128x16xf32, #tpu.memory_space<vmem>> -> memref<64x16xf32, #tpu.memory_space<vmem>>
        tpu.wait_dma2 semaphore(%run_scoped3A : memref<!tpu.dma_semaphore, #tpu.memory_space<semaphore_mem>>) src(%dma_wait3A_67 : memref<64x16xf32, #tpu.memory_space<vmem>>) dst(%dma_wait3A_64 : memref<64x16xf32, #tpu.memory_space<hbm>>)
        tpu.yield
      }) : () -> ()
    }
    %scan3A_38 = arith.constant 10 : i32
    return
  }
}

#map = affine_map<(d0, d1) -> (0, 0)>
#map1 = affine_map<(d0, d1) -> (0, 0, 0)>
module attributes {stable_mosaic.version = 14 : i64} {
  func.func @seg(%arg0: i32, %arg1: i32, %arg2: memref<10000x128xbf16, #tpu.memory_space<hbm>>, %arg3: memref<1250x128xi32, #tpu.memory_space<hbm>>, %arg4: memref<1250x128xi32, #tpu.memory_space<hbm>>, %arg5: memref<128x128xbf16, #tpu.memory_space<hbm>>, %arg6: memref<64x16xf32, #tpu.memory_space<hbm>>, %arg7: memref<128x16xf32, #tpu.memory_space<hbm>>, %arg8: memref<2x10240x128xbf16, #tpu.memory_space<hbm>>, %arg9: memref<2x10240x16xf32, #tpu.memory_space<hbm>>, %arg10: memref<64x128xi32, #tpu.memory_space<vmem>>, %arg11: memref<64x128xi32, #tpu.memory_space<vmem>>, %arg12: memref<128x128xbf16, #tpu.memory_space<vmem>>, %arg13: memref<128x128xbf16, #tpu.memory_space<vmem>>, %arg14: memref<128x16xf32, #tpu.memory_space<vmem>>, %arg15: memref<64x16xf32, #tpu.memory_space<vmem>>, %arg16: memref<10240x128xbf16, #tpu.memory_space<vmem_shared>>, %arg17: memref<10240x16xf32, #tpu.memory_space<vmem_shared>>, %arg18: memref<!tpu.dma_semaphore, #tpu.memory_space<semaphore_mem>>, %arg19: memref<!tpu.dma_semaphore, #tpu.memory_space<semaphore_mem>>) attributes {dimension_semantics = [#tpu.dimension_semantics<core_parallel>, #tpu.dimension_semantics<subcore_parallel>], iteration_bounds = array<i64: 2, 16>, scalar_prefetch = 0 : i64, scratch_operands = 10 : i64, tpu.core_type = #tpu.core_type<sc_vector_subcore>, window_params = [{transform_indices = #map}, {transform_indices = #map}, {transform_indices = #map}, {transform_indices = #map}, {transform_indices = #map}, {transform_indices = #map}, {transform_indices = #map1}, {transform_indices = #map1}]} {
    %eq3A = arith.constant 0 : i32
    %eq3A_0 = arith.cmpi eq, %arg0, %eq3A : i32
    %min3A = arith.constant 2 : i32
    %min3A_1 = arith.minsi %arg1, %min3A : i32
    %jit3A = arith.constant 0 : i32
    %select_n3A = arith.select %eq3A_0, %jit3A, %min3A_1 : i32
    %mul3A = arith.constant 16 : i32
    %mul3A_2 = arith.muli %arg0, %mul3A : i32
    %add3A = arith.addi %mul3A_2, %arg1 : i32
    %mul3A_3 = arith.constant 39 : i32
    %mul3A_4 = arith.muli %add3A, %mul3A_3 : i32
    %add3A_5 = arith.addi %mul3A_4, %select_n3A : i32
    %min3A_6 = arith.constant 1186 : i32
    %min3A_7 = arith.minsi %add3A_5, %min3A_6 : i32
    %sub3A = arith.subi %add3A_5, %min3A_7 : i32
    %eq3A_8 = arith.constant 1 : i32
    %eq3A_9 = arith.cmpi eq, %arg0, %eq3A_8 : i32
    %lt3A = arith.constant 2 : i32
    %lt3A_10 = arith.cmpi slt, %arg1, %lt3A : i32
    %and3A = arith.andi %eq3A_9, %lt3A_10 : i1
    %jit3A_11 = arith.constant 20 : i32
    %jit3A_12 = arith.constant 19 : i32
    %select_n3A_13 = arith.select %and3A, %jit3A_11, %jit3A_12 : i32
    %not3A = arith.constant true
    %not3A_14 = arith.xori %and3A, %not3A : i1
    %mul3A_15 = arith.constant 640 : i32
    %mul3A_16 = arith.muli %arg1, %mul3A_15 : i32
    "tpu.trace_start"() <{level = 10 : i32, message = "p1_zero"}> : () -> ()
    "tpu.region"() ({
      %run_scoped3A = tpu.sem_alloc : memref<!tpu.dma_semaphore, #tpu.memory_space<semaphore_mem>>
      tpu.enqueue_dma source(%arg5 : memref<128x128xbf16, #tpu.memory_space<hbm>>) target(%arg12 : memref<128x128xbf16, #tpu.memory_space<vmem>>) target_semaphore(%run_scoped3A : memref<!tpu.dma_semaphore, #tpu.memory_space<semaphore_mem>>)
      tpu.wait_dma2 semaphore(%run_scoped3A : memref<!tpu.dma_semaphore, #tpu.memory_space<semaphore_mem>>) src(%arg5 : memref<128x128xbf16, #tpu.memory_space<hbm>>) dst(%arg12 : memref<128x128xbf16, #tpu.memory_space<vmem>>)
      tpu.yield
    }) : () -> ()
    "tpu.region"() ({
      %run_scoped3A = tpu.sem_alloc : memref<!tpu.dma_semaphore, #tpu.memory_space<semaphore_mem>>
      tpu.enqueue_dma source(%arg6 : memref<64x16xf32, #tpu.memory_space<hbm>>) target(%arg15 : memref<64x16xf32, #tpu.memory_space<vmem>>) target_semaphore(%run_scoped3A : memref<!tpu.dma_semaphore, #tpu.memory_space<semaphore_mem>>)
      tpu.wait_dma2 semaphore(%run_scoped3A : memref<!tpu.dma_semaphore, #tpu.memory_space<semaphore_mem>>) src(%arg6 : memref<64x16xf32, #tpu.memory_space<hbm>>) dst(%arg15 : memref<64x16xf32, #tpu.memory_space<vmem>>)
      tpu.yield
    }) : () -> ()
    "tpu.region"() ({
      %run_scoped3A = tpu.sem_alloc : memref<!tpu.dma_semaphore, #tpu.memory_space<semaphore_mem>>
      tpu.enqueue_dma source(%arg7 : memref<128x16xf32, #tpu.memory_space<hbm>>) target(%arg14 : memref<128x16xf32, #tpu.memory_space<vmem>>) target_semaphore(%run_scoped3A : memref<!tpu.dma_semaphore, #tpu.memory_space<semaphore_mem>>)
      tpu.wait_dma2 semaphore(%run_scoped3A : memref<!tpu.dma_semaphore, #tpu.memory_space<semaphore_mem>>) src(%arg7 : memref<128x16xf32, #tpu.memory_space<hbm>>) dst(%arg14 : memref<128x16xf32, #tpu.memory_space<vmem>>)
      tpu.yield
    }) : () -> ()
    %scan3A = arith.constant 0 : i32
    %scan3A_17 = arith.constant 0 : i32
    %scan3A_18 = arith.constant 10 : i32
    %scan3A_19 = arith.addi %scan3A_17, %scan3A_18 : i32
    %scan3A_20 = arith.constant 1 : i32
    scf.for %scan3A_39 = %scan3A_17 to %scan3A_19 step %scan3A_20  : i32 {
      %mul3A_40 = arith.constant 64 : i32
      %mul3A_41 = arith.muli %scan3A_39, %mul3A_40 : i32
      %add3A_42 = arith.addi %mul3A_16, %mul3A_41 : i32
      "tpu.region"() ({
        %run_scoped3A = tpu.sem_alloc : memref<!tpu.dma_semaphore, #tpu.memory_space<semaphore_mem>>
        %dma_start3A = arith.constant 0 : i32
        %dma_start3A_46 = arith.constant 0 : i32
        %dma_start3A_47 = tpu.memref_slice %arg12[%dma_start3A, %dma_start3A_46] : memref<128x128xbf16, #tpu.memory_space<vmem>> -> memref<64x128xbf16, #tpu.memory_space<vmem>>
        %dma_start3A_48 = arith.constant 0 : i32
        %dma_start3A_49 = tpu.memref_slice %arg16[%add3A_42, %dma_start3A_48] : memref<10240x128xbf16, #tpu.memory_space<vmem_shared>> -> memref<64x128xbf16, #tpu.memory_space<vmem_shared>>
        %dma_start3A_50 = arith.constant 0 : i32
        %dma_start3A_51 = tpu.memref_slice %arg16[%add3A_42, %dma_start3A_50] : memref<10240x128xbf16, #tpu.memory_space<vmem_shared>> -> memref<64x128xbf16, #tpu.memory_space<vmem_shared>>
        %dma_start3A_52 = arith.constant 0 : i32
        %dma_start3A_53 = arith.constant 0 : i32
        %dma_start3A_54 = tpu.memref_slice %arg12[%dma_start3A_52, %dma_start3A_53] : memref<128x128xbf16, #tpu.memory_space<vmem>> -> memref<64x128xbf16, #tpu.memory_space<vmem>>
        tpu.enqueue_dma source(%dma_start3A_54 : memref<64x128xbf16, #tpu.memory_space<vmem>>) target(%dma_start3A_51 : memref<64x128xbf16, #tpu.memory_space<vmem_shared>>) target_semaphore(%run_scoped3A : memref<!tpu.dma_semaphore, #tpu.memory_space<semaphore_mem>>)
        %dma_wait3A = arith.constant 0 : i32
        %dma_wait3A_55 = arith.constant 0 : i32
        %dma_wait3A_56 = tpu.memref_slice %arg12[%dma_wait3A, %dma_wait3A_55] : memref<128x128xbf16, #tpu.memory_space<vmem>> -> memref<64x128xbf16, #tpu.memory_space<vmem>>
        %dma_wait3A_57 = arith.constant 0 : i32
        %dma_wait3A_58 = tpu.memref_slice %arg16[%add3A_42, %dma_wait3A_57] : memref<10240x128xbf16, #tpu.memory_space<vmem_shared>> -> memref<64x128xbf16, #tpu.memory_space<vmem_shared>>
        %dma_wait3A_59 = arith.constant 0 : i32
        %dma_wait3A_60 = tpu.memref_slice %arg16[%add3A_42, %dma_wait3A_59] : memref<10240x128xbf16, #tpu.memory_space<vmem_shared>> -> memref<64x128xbf16, #tpu.memory_space<vmem_shared>>
        %dma_wait3A_61 = arith.constant 0 : i32
        %dma_wait3A_62 = arith.constant 0 : i32
        %dma_wait3A_63 = tpu.memref_slice %arg12[%dma_wait3A_61, %dma_wait3A_62] : memref<128x128xbf16, #tpu.memory_space<vmem>> -> memref<64x128xbf16, #tpu.memory_space<vmem>>
        tpu.wait_dma2 semaphore(%run_scoped3A : memref<!tpu.dma_semaphore, #tpu.memory_space<semaphore_mem>>) src(%dma_wait3A_63 : memref<64x128xbf16, #tpu.memory_space<vmem>>) dst(%dma_wait3A_60 : memref<64x128xbf16, #tpu.memory_space<vmem_shared>>)
        tpu.yield
      }) : () -> ()
      %mul3A_43 = arith.constant 64 : i32
      %mul3A_44 = arith.muli %scan3A_39, %mul3A_43 : i32
      %add3A_45 = arith.addi %mul3A_16, %mul3A_44 : i32
      "tpu.region"() ({
        %run_scoped3A = tpu.sem_alloc : memref<!tpu.dma_semaphore, #tpu.memory_space<semaphore_mem>>
        %dma_start3A = arith.constant 0 : i32
        %dma_start3A_46 = tpu.memref_slice %arg17[%add3A_45, %dma_start3A] : memref<10240x16xf32, #tpu.memory_space<vmem_shared>> -> memref<64x16xf32, #tpu.memory_space<vmem_shared>>
        %dma_start3A_47 = arith.constant 0 : i32
        %dma_start3A_48 = tpu.memref_slice %arg17[%add3A_45, %dma_start3A_47] : memref<10240x16xf32, #tpu.memory_space<vmem_shared>> -> memref<64x16xf32, #tpu.memory_space<vmem_shared>>
        tpu.enqueue_dma source(%arg15 : memref<64x16xf32, #tpu.memory_space<vmem>>) target(%dma_start3A_48 : memref<64x16xf32, #tpu.memory_space<vmem_shared>>) target_semaphore(%run_scoped3A : memref<!tpu.dma_semaphore, #tpu.memory_space<semaphore_mem>>)
        %dma_wait3A = arith.constant 0 : i32
        %dma_wait3A_49 = tpu.memref_slice %arg17[%add3A_45, %dma_wait3A] : memref<10240x16xf32, #tpu.memory_space<vmem_shared>> -> memref<64x16xf32, #tpu.memory_space<vmem_shared>>
        %dma_wait3A_50 = arith.constant 0 : i32
        %dma_wait3A_51 = tpu.memref_slice %arg17[%add3A_45, %dma_wait3A_50] : memref<10240x16xf32, #tpu.memory_space<vmem_shared>> -> memref<64x16xf32, #tpu.memory_space<vmem_shared>>
        tpu.wait_dma2 semaphore(%run_scoped3A : memref<!tpu.dma_semaphore, #tpu.memory_space<semaphore_mem>>) src(%arg15 : memref<64x16xf32, #tpu.memory_space<vmem>>) dst(%dma_wait3A_51 : memref<64x16xf32, #tpu.memory_space<vmem_shared>>)
        tpu.yield
      }) : () -> ()
    }
    %scan3A_21 = arith.constant 10 : i32
    "tpu.trace_stop"() : () -> ()
    "tpu.trace_start"() <{level = 10 : i32, message = "p1_idx"}> : () -> ()
    "tpu.region"() ({
      %run_scoped3A = tpu.sem_alloc : memref<!tpu.dma_semaphore, #tpu.memory_space<semaphore_mem>>
      %dma_start3A = arith.constant 0 : i32
      %dma_start3A_39 = tpu.memref_slice %arg3[%min3A_7, %dma_start3A] : memref<1250x128xi32, #tpu.memory_space<hbm>> -> memref<64x128xi32, #tpu.memory_space<hbm>>
      %dma_start3A_40 = arith.constant 0 : i32
      %dma_start3A_41 = tpu.memref_slice %arg3[%min3A_7, %dma_start3A_40] : memref<1250x128xi32, #tpu.memory_space<hbm>> -> memref<64x128xi32, #tpu.memory_space<hbm>>
      tpu.enqueue_dma source(%dma_start3A_41 : memref<64x128xi32, #tpu.memory_space<hbm>>) target(%arg10 : memref<64x128xi32, #tpu.memory_space<vmem>>) target_semaphore(%run_scoped3A : memref<!tpu.dma_semaphore, #tpu.memory_space<semaphore_mem>>)
      %dma_wait3A = arith.constant 0 : i32
      %dma_wait3A_42 = tpu.memref_slice %arg3[%min3A_7, %dma_wait3A] : memref<1250x128xi32, #tpu.memory_space<hbm>> -> memref<64x128xi32, #tpu.memory_space<hbm>>
      %dma_wait3A_43 = arith.constant 0 : i32
      %dma_wait3A_44 = tpu.memref_slice %arg3[%min3A_7, %dma_wait3A_43] : memref<1250x128xi32, #tpu.memory_space<hbm>> -> memref<64x128xi32, #tpu.memory_space<hbm>>
      tpu.wait_dma2 semaphore(%run_scoped3A : memref<!tpu.dma_semaphore, #tpu.memory_space<semaphore_mem>>) src(%dma_wait3A_44 : memref<64x128xi32, #tpu.memory_space<hbm>>) dst(%arg10 : memref<64x128xi32, #tpu.memory_space<vmem>>)
      tpu.yield
    }) : () -> ()
    "tpu.region"() ({
      %run_scoped3A = tpu.sem_alloc : memref<!tpu.dma_semaphore, #tpu.memory_space<semaphore_mem>>
      %dma_start3A = arith.constant 0 : i32
      %dma_start3A_39 = tpu.memref_slice %arg4[%min3A_7, %dma_start3A] : memref<1250x128xi32, #tpu.memory_space<hbm>> -> memref<64x128xi32, #tpu.memory_space<hbm>>
      %dma_start3A_40 = arith.constant 0 : i32
      %dma_start3A_41 = tpu.memref_slice %arg4[%min3A_7, %dma_start3A_40] : memref<1250x128xi32, #tpu.memory_space<hbm>> -> memref<64x128xi32, #tpu.memory_space<hbm>>
      tpu.enqueue_dma source(%dma_start3A_41 : memref<64x128xi32, #tpu.memory_space<hbm>>) target(%arg11 : memref<64x128xi32, #tpu.memory_space<vmem>>) target_semaphore(%run_scoped3A : memref<!tpu.dma_semaphore, #tpu.memory_space<semaphore_mem>>)
      %dma_wait3A = arith.constant 0 : i32
      %dma_wait3A_42 = tpu.memref_slice %arg4[%min3A_7, %dma_wait3A] : memref<1250x128xi32, #tpu.memory_space<hbm>> -> memref<64x128xi32, #tpu.memory_space<hbm>>
      %dma_wait3A_43 = arith.constant 0 : i32
      %dma_wait3A_44 = tpu.memref_slice %arg4[%min3A_7, %dma_wait3A_43] : memref<1250x128xi32, #tpu.memory_space<hbm>> -> memref<64x128xi32, #tpu.memory_space<hbm>>
      tpu.wait_dma2 semaphore(%run_scoped3A : memref<!tpu.dma_semaphore, #tpu.memory_space<semaphore_mem>>) src(%dma_wait3A_44 : memref<64x128xi32, #tpu.memory_space<hbm>>) dst(%arg11 : memref<64x128xi32, #tpu.memory_space<vmem>>)
      tpu.yield
    }) : () -> ()
    %barrier3A = arith.constant 0 : index
    tpu.barrier barrier_id(%barrier3A)
    %while3A = arith.constant 0 : i32
    %while3A_22 = arith.constant 0 : i32
    "tpu.trace_stop"() : () -> ()
    "tpu.trace_start"() <{level = 10 : i32, message = "p1_edges"}> : () -> ()
    %while3A_23 = arith.subi %select_n3A_13, %while3A_22 : i32
    %while3A_24 = arith.addi %while3A_22, %while3A_23 : i32
    %while3A_25 = arith.constant 1 : i32
    %while3A_26 = arith.divsi %while3A_23, %while3A_25 : i32
    %while3A_27 = arith.muli %while3A_26, %while3A_25 : i32
    %while3A_28 = arith.addi %while3A_22, %while3A_27 : i32
    %while3A_29 = arith.constant 1 : i32
    scf.for %while3A_39 = %while3A_22 to %while3A_28 step %while3A_29  : i32 {
      %mul3A_40 = arith.constant 2 : i32
      %mul3A_41 = arith.muli %mul3A_40, %while3A_39 : i32
      %add3A_42 = arith.addi %sub3A, %mul3A_41 : i32
      %mul3A_43 = arith.constant 2 : i32
      %mul3A_44 = arith.muli %mul3A_43, %while3A_39 : i32
      %add3A_45 = arith.addi %sub3A, %mul3A_44 : i32
      %add3A_46 = arith.constant 1 : i32
      %add3A_47 = arith.addi %add3A_45, %add3A_46 : i32
      %dma_start3A = arith.constant 0 : i32
      %dma_start3A_48 = tpu.memref_slice %arg10[%add3A_42, %dma_start3A] : memref<64x128xi32, #tpu.memory_space<vmem>> -> memref<1x128xi32, #tpu.memory_space<vmem>>
      %dma_start3A_49 = tpu.memref_squeeze %dma_start3A_48 : memref<1x128xi32, #tpu.memory_space<vmem>> -> memref<128xi32, #tpu.memory_space<vmem>>
      %dma_start3A_50 = arith.constant 0 : i32
      %dma_start3A_51 = arith.constant 0 : i32
      %dma_start3A_52 = tpu.memref_slice %arg2[%dma_start3A_50, %dma_start3A_51] : memref<10000x128xbf16, #tpu.memory_space<hbm>> -> memref<10000x128xbf16, #tpu.memory_space<hbm>>
      tpu.enqueue_indirect_dma source(%dma_start3A_52 : memref<10000x128xbf16, #tpu.memory_space<hbm>>) target(%arg12 : memref<128x128xbf16, #tpu.memory_space<vmem>>) offsets(%dma_start3A_49 : memref<128xi32, #tpu.memory_space<vmem>>) semaphore(%arg18 : memref<!tpu.dma_semaphore, #tpu.memory_space<semaphore_mem>>)
      %dma_start3A_53 = arith.constant 0 : i32
      %dma_start3A_54 = tpu.memref_slice %arg10[%add3A_47, %dma_start3A_53] : memref<64x128xi32, #tpu.memory_space<vmem>> -> memref<1x128xi32, #tpu.memory_space<vmem>>
      %dma_start3A_55 = tpu.memref_squeeze %dma_start3A_54 : memref<1x128xi32, #tpu.memory_space<vmem>> -> memref<128xi32, #tpu.memory_space<vmem>>
      %dma_start3A_56 = arith.constant 0 : i32
      %dma_start3A_57 = arith.constant 0 : i32
      %dma_start3A_58 = tpu.memref_slice %arg2[%dma_start3A_56, %dma_start3A_57] : memref<10000x128xbf16, #tpu.memory_space<hbm>> -> memref<10000x128xbf16, #tpu.memory_space<hbm>>
      tpu.enqueue_indirect_dma source(%dma_start3A_58 : memref<10000x128xbf16, #tpu.memory_space<hbm>>) target(%arg13 : memref<128x128xbf16, #tpu.memory_space<vmem>>) offsets(%dma_start3A_55 : memref<128xi32, #tpu.memory_space<vmem>>) semaphore(%arg19 : memref<!tpu.dma_semaphore, #tpu.memory_space<semaphore_mem>>)
      "tpu.region"() ({
        %run_scoped3A = tpu.sem_alloc : memref<!tpu.dma_semaphore, #tpu.memory_space<semaphore_mem>>
        %dma_start3A_70 = arith.constant 0 : i32
        %dma_start3A_71 = tpu.memref_slice %arg11[%add3A_42, %dma_start3A_70] : memref<64x128xi32, #tpu.memory_space<vmem>> -> memref<1x128xi32, #tpu.memory_space<vmem>>
        %dma_start3A_72 = tpu.memref_squeeze %dma_start3A_71 : memref<1x128xi32, #tpu.memory_space<vmem>> -> memref<128xi32, #tpu.memory_space<vmem>>
        %dma_start3A_73 = arith.constant 0 : i32
        %dma_start3A_74 = arith.constant 0 : i32
        %dma_start3A_75 = tpu.memref_slice %arg17[%dma_start3A_73, %dma_start3A_74] : memref<10240x16xf32, #tpu.memory_space<vmem_shared>> -> memref<10240x16xf32, #tpu.memory_space<vmem_shared>>
        tpu.enqueue_indirect_dma source(%arg14 : memref<128x16xf32, #tpu.memory_space<vmem>>) target(%dma_start3A_75 : memref<10240x16xf32, #tpu.memory_space<vmem_shared>>) offsets(%dma_start3A_72 : memref<128xi32, #tpu.memory_space<vmem>>) semaphore(%run_scoped3A : memref<!tpu.dma_semaphore, #tpu.memory_space<semaphore_mem>>) {add = true}
        %dma_wait3A_76 = arith.constant 0 : i32
        %dma_wait3A_77 = tpu.memref_slice %arg11[%add3A_42, %dma_wait3A_76] : memref<64x128xi32, #tpu.memory_space<vmem>> -> memref<1x128xi32, #tpu.memory_space<vmem>>
        %dma_wait3A_78 = tpu.memref_squeeze %dma_wait3A_77 : memref<1x128xi32, #tpu.memory_space<vmem>> -> memref<128xi32, #tpu.memory_space<vmem>>
        %dma_wait3A_79 = arith.constant 0 : i32
        %dma_wait3A_80 = arith.constant 0 : i32
        %dma_wait3A_81 = tpu.memref_slice %arg17[%dma_wait3A_79, %dma_wait3A_80] : memref<10240x16xf32, #tpu.memory_space<vmem_shared>> -> memref<10240x16xf32, #tpu.memory_space<vmem_shared>>
        tpu.wait_indirect_dma semaphore(%run_scoped3A : memref<!tpu.dma_semaphore, #tpu.memory_space<semaphore_mem>>) src(%arg14 : memref<128x16xf32, #tpu.memory_space<vmem>>) dst(%dma_wait3A_81 : memref<10240x16xf32, #tpu.memory_space<vmem_shared>>)
        tpu.yield
      }) : () -> ()
      %dma_wait3A = arith.constant 0 : i32
      %dma_wait3A_59 = tpu.memref_slice %arg10[%add3A_42, %dma_wait3A] : memref<64x128xi32, #tpu.memory_space<vmem>> -> memref<1x128xi32, #tpu.memory_space<vmem>>
      %dma_wait3A_60 = tpu.memref_squeeze %dma_wait3A_59 : memref<1x128xi32, #tpu.memory_space<vmem>> -> memref<128xi32, #tpu.memory_space<vmem>>
      %dma_wait3A_61 = arith.constant 0 : i32
      %dma_wait3A_62 = arith.constant 0 : i32
      %dma_wait3A_63 = tpu.memref_slice %arg2[%dma_wait3A_61, %dma_wait3A_62] : memref<10000x128xbf16, #tpu.memory_space<hbm>> -> memref<10000x128xbf16, #tpu.memory_space<hbm>>
      tpu.wait_indirect_dma semaphore(%arg18 : memref<!tpu.dma_semaphore, #tpu.memory_space<semaphore_mem>>) src(%dma_wait3A_63 : memref<10000x128xbf16, #tpu.memory_space<hbm>>) dst(%arg12 : memref<128x128xbf16, #tpu.memory_space<vmem>>)
      "tpu.region"() ({
        %run_scoped3A = tpu.sem_alloc : memref<!tpu.dma_semaphore, #tpu.memory_space<semaphore_mem>>
        %dma_start3A_70 = arith.constant 0 : i32
        %dma_start3A_71 = tpu.memref_slice %arg11[%add3A_42, %dma_start3A_70] : memref<64x128xi32, #tpu.memory_space<vmem>> -> memref<1x128xi32, #tpu.memory_space<vmem>>
        %dma_start3A_72 = tpu.memref_squeeze %dma_start3A_71 : memref<1x128xi32, #tpu.memory_space<vmem>> -> memref<128xi32, #tpu.memory_space<vmem>>
        %dma_start3A_73 = arith.constant 0 : i32
        %dma_start3A_74 = arith.constant 0 : i32
        %dma_start3A_75 = tpu.memref_slice %arg16[%dma_start3A_73, %dma_start3A_74] : memref<10240x128xbf16, #tpu.memory_space<vmem_shared>> -> memref<10240x128xbf16, #tpu.memory_space<vmem_shared>>
        tpu.enqueue_indirect_dma source(%arg12 : memref<128x128xbf16, #tpu.memory_space<vmem>>) target(%dma_start3A_75 : memref<10240x128xbf16, #tpu.memory_space<vmem_shared>>) offsets(%dma_start3A_72 : memref<128xi32, #tpu.memory_space<vmem>>) semaphore(%run_scoped3A : memref<!tpu.dma_semaphore, #tpu.memory_space<semaphore_mem>>) {add = true}
        %dma_wait3A_76 = arith.constant 0 : i32
        %dma_wait3A_77 = tpu.memref_slice %arg11[%add3A_42, %dma_wait3A_76] : memref<64x128xi32, #tpu.memory_space<vmem>> -> memref<1x128xi32, #tpu.memory_space<vmem>>
        %dma_wait3A_78 = tpu.memref_squeeze %dma_wait3A_77 : memref<1x128xi32, #tpu.memory_space<vmem>> -> memref<128xi32, #tpu.memory_space<vmem>>
        %dma_wait3A_79 = arith.constant 0 : i32
        %dma_wait3A_80 = arith.constant 0 : i32
        %dma_wait3A_81 = tpu.memref_slice %arg16[%dma_wait3A_79, %dma_wait3A_80] : memref<10240x128xbf16, #tpu.memory_space<vmem_shared>> -> memref<10240x128xbf16, #tpu.memory_space<vmem_shared>>
        tpu.wait_indirect_dma semaphore(%run_scoped3A : memref<!tpu.dma_semaphore, #tpu.memory_space<semaphore_mem>>) src(%arg12 : memref<128x128xbf16, #tpu.memory_space<vmem>>) dst(%dma_wait3A_81 : memref<10240x128xbf16, #tpu.memory_space<vmem_shared>>)
        tpu.yield
      }) : () -> ()
      "tpu.region"() ({
        %run_scoped3A = tpu.sem_alloc : memref<!tpu.dma_semaphore, #tpu.memory_space<semaphore_mem>>
        %dma_start3A_70 = arith.constant 0 : i32
        %dma_start3A_71 = tpu.memref_slice %arg11[%add3A_47, %dma_start3A_70] : memref<64x128xi32, #tpu.memory_space<vmem>> -> memref<1x128xi32, #tpu.memory_space<vmem>>
        %dma_start3A_72 = tpu.memref_squeeze %dma_start3A_71 : memref<1x128xi32, #tpu.memory_space<vmem>> -> memref<128xi32, #tpu.memory_space<vmem>>
        %dma_start3A_73 = arith.constant 0 : i32
        %dma_start3A_74 = arith.constant 0 : i32
        %dma_start3A_75 = tpu.memref_slice %arg17[%dma_start3A_73, %dma_start3A_74] : memref<10240x16xf32, #tpu.memory_space<vmem_shared>> -> memref<10240x16xf32, #tpu.memory_space<vmem_shared>>
        tpu.enqueue_indirect_dma source(%arg14 : memref<128x16xf32, #tpu.memory_space<vmem>>) target(%dma_start3A_75 : memref<10240x16xf32, #tpu.memory_space<vmem_shared>>) offsets(%dma_start3A_72 : memref<128xi32, #tpu.memory_space<vmem>>) semaphore(%run_scoped3A : memref<!tpu.dma_semaphore, #tpu.memory_space<semaphore_mem>>) {add = true}
        %dma_wait3A_76 = arith.constant 0 : i32
        %dma_wait3A_77 = tpu.memref_slice %arg11[%add3A_47, %dma_wait3A_76] : memref<64x128xi32, #tpu.memory_space<vmem>> -> memref<1x128xi32, #tpu.memory_space<vmem>>
        %dma_wait3A_78 = tpu.memref_squeeze %dma_wait3A_77 : memref<1x128xi32, #tpu.memory_space<vmem>> -> memref<128xi32, #tpu.memory_space<vmem>>
        %dma_wait3A_79 = arith.constant 0 : i32
        %dma_wait3A_80 = arith.constant 0 : i32
        %dma_wait3A_81 = tpu.memref_slice %arg17[%dma_wait3A_79, %dma_wait3A_80] : memref<10240x16xf32, #tpu.memory_space<vmem_shared>> -> memref<10240x16xf32, #tpu.memory_space<vmem_shared>>
        tpu.wait_indirect_dma semaphore(%run_scoped3A : memref<!tpu.dma_semaphore, #tpu.memory_space<semaphore_mem>>) src(%arg14 : memref<128x16xf32, #tpu.memory_space<vmem>>) dst(%dma_wait3A_81 : memref<10240x16xf32, #tpu.memory_space<vmem_shared>>)
        tpu.yield
      }) : () -> ()
      %dma_wait3A_64 = arith.constant 0 : i32
      %dma_wait3A_65 = tpu.memref_slice %arg10[%add3A_47, %dma_wait3A_64] : memref<64x128xi32, #tpu.memory_space<vmem>> -> memref<1x128xi32, #tpu.memory_space<vmem>>
      %dma_wait3A_66 = tpu.memref_squeeze %dma_wait3A_65 : memref<1x128xi32, #tpu.memory_space<vmem>> -> memref<128xi32, #tpu.memory_space<vmem>>
      %dma_wait3A_67 = arith.constant 0 : i32
      %dma_wait3A_68 = arith.constant 0 : i32
      %dma_wait3A_69 = tpu.memref_slice %arg2[%dma_wait3A_67, %dma_wait3A_68] : memref<10000x128xbf16, #tpu.memory_space<hbm>> -> memref<10000x128xbf16, #tpu.memory_space<hbm>>
      tpu.wait_indirect_dma semaphore(%arg19 : memref<!tpu.dma_semaphore, #tpu.memory_space<semaphore_mem>>) src(%dma_wait3A_69 : memref<10000x128xbf16, #tpu.memory_space<hbm>>) dst(%arg13 : memref<128x128xbf16, #tpu.memory_space<vmem>>)
      "tpu.region"() ({
        %run_scoped3A = tpu.sem_alloc : memref<!tpu.dma_semaphore, #tpu.memory_space<semaphore_mem>>
        %dma_start3A_70 = arith.constant 0 : i32
        %dma_start3A_71 = tpu.memref_slice %arg11[%add3A_47, %dma_start3A_70] : memref<64x128xi32, #tpu.memory_space<vmem>> -> memref<1x128xi32, #tpu.memory_space<vmem>>
        %dma_start3A_72 = tpu.memref_squeeze %dma_start3A_71 : memref<1x128xi32, #tpu.memory_space<vmem>> -> memref<128xi32, #tpu.memory_space<vmem>>
        %dma_start3A_73 = arith.constant 0 : i32
        %dma_start3A_74 = arith.constant 0 : i32
        %dma_start3A_75 = tpu.memref_slice %arg16[%dma_start3A_73, %dma_start3A_74] : memref<10240x128xbf16, #tpu.memory_space<vmem_shared>> -> memref<10240x128xbf16, #tpu.memory_space<vmem_shared>>
        tpu.enqueue_indirect_dma source(%arg13 : memref<128x128xbf16, #tpu.memory_space<vmem>>) target(%dma_start3A_75 : memref<10240x128xbf16, #tpu.memory_space<vmem_shared>>) offsets(%dma_start3A_72 : memref<128xi32, #tpu.memory_space<vmem>>) semaphore(%run_scoped3A : memref<!tpu.dma_semaphore, #tpu.memory_space<semaphore_mem>>) {add = true}
        %dma_wait3A_76 = arith.constant 0 : i32
        %dma_wait3A_77 = tpu.memref_slice %arg11[%add3A_47, %dma_wait3A_76] : memref<64x128xi32, #tpu.memory_space<vmem>> -> memref<1x128xi32, #tpu.memory_space<vmem>>
        %dma_wait3A_78 = tpu.memref_squeeze %dma_wait3A_77 : memref<1x128xi32, #tpu.memory_space<vmem>> -> memref<128xi32, #tpu.memory_space<vmem>>
        %dma_wait3A_79 = arith.constant 0 : i32
        %dma_wait3A_80 = arith.constant 0 : i32
        %dma_wait3A_81 = tpu.memref_slice %arg16[%dma_wait3A_79, %dma_wait3A_80] : memref<10240x128xbf16, #tpu.memory_space<vmem_shared>> -> memref<10240x128xbf16, #tpu.memory_space<vmem_shared>>
        tpu.wait_indirect_dma semaphore(%run_scoped3A : memref<!tpu.dma_semaphore, #tpu.memory_space<semaphore_mem>>) src(%arg13 : memref<128x128xbf16, #tpu.memory_space<vmem>>) dst(%dma_wait3A_81 : memref<10240x128xbf16, #tpu.memory_space<vmem_shared>>)
        tpu.yield
      }) : () -> ()
    }
    %while3A_30 = arith.constant 1 : i32
    scf.for %while3A_39 = %while3A_28 to %while3A_24 step %while3A_30  : i32 {
      %mul3A_40 = arith.constant 2 : i32
      %mul3A_41 = arith.muli %mul3A_40, %while3A_39 : i32
      %add3A_42 = arith.addi %sub3A, %mul3A_41 : i32
      %mul3A_43 = arith.constant 2 : i32
      %mul3A_44 = arith.muli %mul3A_43, %while3A_39 : i32
      %add3A_45 = arith.addi %sub3A, %mul3A_44 : i32
      %add3A_46 = arith.constant 1 : i32
      %add3A_47 = arith.addi %add3A_45, %add3A_46 : i32
      %dma_start3A = arith.constant 0 : i32
      %dma_start3A_48 = tpu.memref_slice %arg10[%add3A_42, %dma_start3A] : memref<64x128xi32, #tpu.memory_space<vmem>> -> memref<1x128xi32, #tpu.memory_space<vmem>>
      %dma_start3A_49 = tpu.memref_squeeze %dma_start3A_48 : memref<1x128xi32, #tpu.memory_space<vmem>> -> memref<128xi32, #tpu.memory_space<vmem>>
      %dma_start3A_50 = arith.constant 0 : i32
      %dma_start3A_51 = arith.constant 0 : i32
      %dma_start3A_52 = tpu.memref_slice %arg2[%dma_start3A_50, %dma_start3A_51] : memref<10000x128xbf16, #tpu.memory_space<hbm>> -> memref<10000x128xbf16, #tpu.memory_space<hbm>>
      tpu.enqueue_indirect_dma source(%dma_start3A_52 : memref<10000x128xbf16, #tpu.memory_space<hbm>>) target(%arg12 : memref<128x128xbf16, #tpu.memory_space<vmem>>) offsets(%dma_start3A_49 : memref<128xi32, #tpu.memory_space<vmem>>) semaphore(%arg18 : memref<!tpu.dma_semaphore, #tpu.memory_space<semaphore_mem>>)
      %dma_start3A_53 = arith.constant 0 : i32
      %dma_start3A_54 = tpu.memref_slice %arg10[%add3A_47, %dma_start3A_53] : memref<64x128xi32, #tpu.memory_space<vmem>> -> memref<1x128xi32, #tpu.memory_space<vmem>>
      %dma_start3A_55 = tpu.memref_squeeze %dma_start3A_54 : memref<1x128xi32, #tpu.memory_space<vmem>> -> memref<128xi32, #tpu.memory_space<vmem>>
      %dma_start3A_56 = arith.constant 0 : i32
      %dma_start3A_57 = arith.constant 0 : i32
      %dma_start3A_58 = tpu.memref_slice %arg2[%dma_start3A_56, %dma_start3A_57] : memref<10000x128xbf16, #tpu.memory_space<hbm>> -> memref<10000x128xbf16, #tpu.memory_space<hbm>>
      tpu.enqueue_indirect_dma source(%dma_start3A_58 : memref<10000x128xbf16, #tpu.memory_space<hbm>>) target(%arg13 : memref<128x128xbf16, #tpu.memory_space<vmem>>) offsets(%dma_start3A_55 : memref<128xi32, #tpu.memory_space<vmem>>) semaphore(%arg19 : memref<!tpu.dma_semaphore, #tpu.memory_space<semaphore_mem>>)
      "tpu.region"() ({
        %run_scoped3A = tpu.sem_alloc : memref<!tpu.dma_semaphore, #tpu.memory_space<semaphore_mem>>
        %dma_start3A_70 = arith.constant 0 : i32
        %dma_start3A_71 = tpu.memref_slice %arg11[%add3A_42, %dma_start3A_70] : memref<64x128xi32, #tpu.memory_space<vmem>> -> memref<1x128xi32, #tpu.memory_space<vmem>>
        %dma_start3A_72 = tpu.memref_squeeze %dma_start3A_71 : memref<1x128xi32, #tpu.memory_space<vmem>> -> memref<128xi32, #tpu.memory_space<vmem>>
        %dma_start3A_73 = arith.constant 0 : i32
        %dma_start3A_74 = arith.constant 0 : i32
        %dma_start3A_75 = tpu.memref_slice %arg17[%dma_start3A_73, %dma_start3A_74] : memref<10240x16xf32, #tpu.memory_space<vmem_shared>> -> memref<10240x16xf32, #tpu.memory_space<vmem_shared>>
        tpu.enqueue_indirect_dma source(%arg14 : memref<128x16xf32, #tpu.memory_space<vmem>>) target(%dma_start3A_75 : memref<10240x16xf32, #tpu.memory_space<vmem_shared>>) offsets(%dma_start3A_72 : memref<128xi32, #tpu.memory_space<vmem>>) semaphore(%run_scoped3A : memref<!tpu.dma_semaphore, #tpu.memory_space<semaphore_mem>>) {add = true}
        %dma_wait3A_76 = arith.constant 0 : i32
        %dma_wait3A_77 = tpu.memref_slice %arg11[%add3A_42, %dma_wait3A_76] : memref<64x128xi32, #tpu.memory_space<vmem>> -> memref<1x128xi32, #tpu.memory_space<vmem>>
        %dma_wait3A_78 = tpu.memref_squeeze %dma_wait3A_77 : memref<1x128xi32, #tpu.memory_space<vmem>> -> memref<128xi32, #tpu.memory_space<vmem>>
        %dma_wait3A_79 = arith.constant 0 : i32
        %dma_wait3A_80 = arith.constant 0 : i32
        %dma_wait3A_81 = tpu.memref_slice %arg17[%dma_wait3A_79, %dma_wait3A_80] : memref<10240x16xf32, #tpu.memory_space<vmem_shared>> -> memref<10240x16xf32, #tpu.memory_space<vmem_shared>>
        tpu.wait_indirect_dma semaphore(%run_scoped3A : memref<!tpu.dma_semaphore, #tpu.memory_space<semaphore_mem>>) src(%arg14 : memref<128x16xf32, #tpu.memory_space<vmem>>) dst(%dma_wait3A_81 : memref<10240x16xf32, #tpu.memory_space<vmem_shared>>)
        tpu.yield
      }) : () -> ()
      %dma_wait3A = arith.constant 0 : i32
      %dma_wait3A_59 = tpu.memref_slice %arg10[%add3A_42, %dma_wait3A] : memref<64x128xi32, #tpu.memory_space<vmem>> -> memref<1x128xi32, #tpu.memory_space<vmem>>
      %dma_wait3A_60 = tpu.memref_squeeze %dma_wait3A_59 : memref<1x128xi32, #tpu.memory_space<vmem>> -> memref<128xi32, #tpu.memory_space<vmem>>
      %dma_wait3A_61 = arith.constant 0 : i32
      %dma_wait3A_62 = arith.constant 0 : i32
      %dma_wait3A_63 = tpu.memref_slice %arg2[%dma_wait3A_61, %dma_wait3A_62] : memref<10000x128xbf16, #tpu.memory_space<hbm>> -> memref<10000x128xbf16, #tpu.memory_space<hbm>>
      tpu.wait_indirect_dma semaphore(%arg18 : memref<!tpu.dma_semaphore, #tpu.memory_space<semaphore_mem>>) src(%dma_wait3A_63 : memref<10000x128xbf16, #tpu.memory_space<hbm>>) dst(%arg12 : memref<128x128xbf16, #tpu.memory_space<vmem>>)
      "tpu.region"() ({
        %run_scoped3A = tpu.sem_alloc : memref<!tpu.dma_semaphore, #tpu.memory_space<semaphore_mem>>
        %dma_start3A_70 = arith.constant 0 : i32
        %dma_start3A_71 = tpu.memref_slice %arg11[%add3A_42, %dma_start3A_70] : memref<64x128xi32, #tpu.memory_space<vmem>> -> memref<1x128xi32, #tpu.memory_space<vmem>>
        %dma_start3A_72 = tpu.memref_squeeze %dma_start3A_71 : memref<1x128xi32, #tpu.memory_space<vmem>> -> memref<128xi32, #tpu.memory_space<vmem>>
        %dma_start3A_73 = arith.constant 0 : i32
        %dma_start3A_74 = arith.constant 0 : i32
        %dma_start3A_75 = tpu.memref_slice %arg16[%dma_start3A_73, %dma_start3A_74] : memref<10240x128xbf16, #tpu.memory_space<vmem_shared>> -> memref<10240x128xbf16, #tpu.memory_space<vmem_shared>>
        tpu.enqueue_indirect_dma source(%arg12 : memref<128x128xbf16, #tpu.memory_space<vmem>>) target(%dma_start3A_75 : memref<10240x128xbf16, #tpu.memory_space<vmem_shared>>) offsets(%dma_start3A_72 : memref<128xi32, #tpu.memory_space<vmem>>) semaphore(%run_scoped3A : memref<!tpu.dma_semaphore, #tpu.memory_space<semaphore_mem>>) {add = true}
        %dma_wait3A_76 = arith.constant 0 : i32
        %dma_wait3A_77 = tpu.memref_slice %arg11[%add3A_42, %dma_wait3A_76] : memref<64x128xi32, #tpu.memory_space<vmem>> -> memref<1x128xi32, #tpu.memory_space<vmem>>
        %dma_wait3A_78 = tpu.memref_squeeze %dma_wait3A_77 : memref<1x128xi32, #tpu.memory_space<vmem>> -> memref<128xi32, #tpu.memory_space<vmem>>
        %dma_wait3A_79 = arith.constant 0 : i32
        %dma_wait3A_80 = arith.constant 0 : i32
        %dma_wait3A_81 = tpu.memref_slice %arg16[%dma_wait3A_79, %dma_wait3A_80] : memref<10240x128xbf16, #tpu.memory_space<vmem_shared>> -> memref<10240x128xbf16, #tpu.memory_space<vmem_shared>>
        tpu.wait_indirect_dma semaphore(%run_scoped3A : memref<!tpu.dma_semaphore, #tpu.memory_space<semaphore_mem>>) src(%arg12 : memref<128x128xbf16, #tpu.memory_space<vmem>>) dst(%dma_wait3A_81 : memref<10240x128xbf16, #tpu.memory_space<vmem_shared>>)
        tpu.yield
      }) : () -> ()
      "tpu.region"() ({
        %run_scoped3A = tpu.sem_alloc : memref<!tpu.dma_semaphore, #tpu.memory_space<semaphore_mem>>
        %dma_start3A_70 = arith.constant 0 : i32
        %dma_start3A_71 = tpu.memref_slice %arg11[%add3A_47, %dma_start3A_70] : memref<64x128xi32, #tpu.memory_space<vmem>> -> memref<1x128xi32, #tpu.memory_space<vmem>>
        %dma_start3A_72 = tpu.memref_squeeze %dma_start3A_71 : memref<1x128xi32, #tpu.memory_space<vmem>> -> memref<128xi32, #tpu.memory_space<vmem>>
        %dma_start3A_73 = arith.constant 0 : i32
        %dma_start3A_74 = arith.constant 0 : i32
        %dma_start3A_75 = tpu.memref_slice %arg17[%dma_start3A_73, %dma_start3A_74] : memref<10240x16xf32, #tpu.memory_space<vmem_shared>> -> memref<10240x16xf32, #tpu.memory_space<vmem_shared>>
        tpu.enqueue_indirect_dma source(%arg14 : memref<128x16xf32, #tpu.memory_space<vmem>>) target(%dma_start3A_75 : memref<10240x16xf32, #tpu.memory_space<vmem_shared>>) offsets(%dma_start3A_72 : memref<128xi32, #tpu.memory_space<vmem>>) semaphore(%run_scoped3A : memref<!tpu.dma_semaphore, #tpu.memory_space<semaphore_mem>>) {add = true}
        %dma_wait3A_76 = arith.constant 0 : i32
        %dma_wait3A_77 = tpu.memref_slice %arg11[%add3A_47, %dma_wait3A_76] : memref<64x128xi32, #tpu.memory_space<vmem>> -> memref<1x128xi32, #tpu.memory_space<vmem>>
        %dma_wait3A_78 = tpu.memref_squeeze %dma_wait3A_77 : memref<1x128xi32, #tpu.memory_space<vmem>> -> memref<128xi32, #tpu.memory_space<vmem>>
        %dma_wait3A_79 = arith.constant 0 : i32
        %dma_wait3A_80 = arith.constant 0 : i32
        %dma_wait3A_81 = tpu.memref_slice %arg17[%dma_wait3A_79, %dma_wait3A_80] : memref<10240x16xf32, #tpu.memory_space<vmem_shared>> -> memref<10240x16xf32, #tpu.memory_space<vmem_shared>>
        tpu.wait_indirect_dma semaphore(%run_scoped3A : memref<!tpu.dma_semaphore, #tpu.memory_space<semaphore_mem>>) src(%arg14 : memref<128x16xf32, #tpu.memory_space<vmem>>) dst(%dma_wait3A_81 : memref<10240x16xf32, #tpu.memory_space<vmem_shared>>)
        tpu.yield
      }) : () -> ()
      %dma_wait3A_64 = arith.constant 0 : i32
      %dma_wait3A_65 = tpu.memref_slice %arg10[%add3A_47, %dma_wait3A_64] : memref<64x128xi32, #tpu.memory_space<vmem>> -> memref<1x128xi32, #tpu.memory_space<vmem>>
      %dma_wait3A_66 = tpu.memref_squeeze %dma_wait3A_65 : memref<1x128xi32, #tpu.memory_space<vmem>> -> memref<128xi32, #tpu.memory_space<vmem>>
      %dma_wait3A_67 = arith.constant 0 : i32
      %dma_wait3A_68 = arith.constant 0 : i32
      %dma_wait3A_69 = tpu.memref_slice %arg2[%dma_wait3A_67, %dma_wait3A_68] : memref<10000x128xbf16, #tpu.memory_space<hbm>> -> memref<10000x128xbf16, #tpu.memory_space<hbm>>
      tpu.wait_indirect_dma semaphore(%arg19 : memref<!tpu.dma_semaphore, #tpu.memory_space<semaphore_mem>>) src(%dma_wait3A_69 : memref<10000x128xbf16, #tpu.memory_space<hbm>>) dst(%arg13 : memref<128x128xbf16, #tpu.memory_space<vmem>>)
      "tpu.region"() ({
        %run_scoped3A = tpu.sem_alloc : memref<!tpu.dma_semaphore, #tpu.memory_space<semaphore_mem>>
        %dma_start3A_70 = arith.constant 0 : i32
        %dma_start3A_71 = tpu.memref_slice %arg11[%add3A_47, %dma_start3A_70] : memref<64x128xi32, #tpu.memory_space<vmem>> -> memref<1x128xi32, #tpu.memory_space<vmem>>
        %dma_start3A_72 = tpu.memref_squeeze %dma_start3A_71 : memref<1x128xi32, #tpu.memory_space<vmem>> -> memref<128xi32, #tpu.memory_space<vmem>>
        %dma_start3A_73 = arith.constant 0 : i32
        %dma_start3A_74 = arith.constant 0 : i32
        %dma_start3A_75 = tpu.memref_slice %arg16[%dma_start3A_73, %dma_start3A_74] : memref<10240x128xbf16, #tpu.memory_space<vmem_shared>> -> memref<10240x128xbf16, #tpu.memory_space<vmem_shared>>
        tpu.enqueue_indirect_dma source(%arg13 : memref<128x128xbf16, #tpu.memory_space<vmem>>) target(%dma_start3A_75 : memref<10240x128xbf16, #tpu.memory_space<vmem_shared>>) offsets(%dma_start3A_72 : memref<128xi32, #tpu.memory_space<vmem>>) semaphore(%run_scoped3A : memref<!tpu.dma_semaphore, #tpu.memory_space<semaphore_mem>>) {add = true}
        %dma_wait3A_76 = arith.constant 0 : i32
        %dma_wait3A_77 = tpu.memref_slice %arg11[%add3A_47, %dma_wait3A_76] : memref<64x128xi32, #tpu.memory_space<vmem>> -> memref<1x128xi32, #tpu.memory_space<vmem>>
        %dma_wait3A_78 = tpu.memref_squeeze %dma_wait3A_77 : memref<1x128xi32, #tpu.memory_space<vmem>> -> memref<128xi32, #tpu.memory_space<vmem>>
        %dma_wait3A_79 = arith.constant 0 : i32
        %dma_wait3A_80 = arith.constant 0 : i32
        %dma_wait3A_81 = tpu.memref_slice %arg16[%dma_wait3A_79, %dma_wait3A_80] : memref<10240x128xbf16, #tpu.memory_space<vmem_shared>> -> memref<10240x128xbf16, #tpu.memory_space<vmem_shared>>
        tpu.wait_indirect_dma semaphore(%run_scoped3A : memref<!tpu.dma_semaphore, #tpu.memory_space<semaphore_mem>>) src(%arg13 : memref<128x128xbf16, #tpu.memory_space<vmem>>) dst(%dma_wait3A_81 : memref<10240x128xbf16, #tpu.memory_space<vmem_shared>>)
        tpu.yield
      }) : () -> ()
    }
    %convert_element_type3A = arith.extui %not3A_14 : i1 to i32
    %cond3A = arith.constant 0 : i32
    %cond3A_31 = arith.cmpi ne, %convert_element_type3A, %cond3A : i32
    scf.if %cond3A_31 {
      %mul3A_39 = arith.constant 2 : i32
      %mul3A_40 = arith.muli %mul3A_39, %select_n3A_13 : i32
      %add3A_41 = arith.addi %sub3A, %mul3A_40 : i32
      %dma_start3A = arith.constant 0 : i32
      %dma_start3A_42 = tpu.memref_slice %arg10[%add3A_41, %dma_start3A] : memref<64x128xi32, #tpu.memory_space<vmem>> -> memref<1x128xi32, #tpu.memory_space<vmem>>
      %dma_start3A_43 = tpu.memref_squeeze %dma_start3A_42 : memref<1x128xi32, #tpu.memory_space<vmem>> -> memref<128xi32, #tpu.memory_space<vmem>>
      %dma_start3A_44 = arith.constant 0 : i32
      %dma_start3A_45 = arith.constant 0 : i32
      %dma_start3A_46 = tpu.memref_slice %arg2[%dma_start3A_44, %dma_start3A_45] : memref<10000x128xbf16, #tpu.memory_space<hbm>> -> memref<10000x128xbf16, #tpu.memory_space<hbm>>
      tpu.enqueue_indirect_dma source(%dma_start3A_46 : memref<10000x128xbf16, #tpu.memory_space<hbm>>) target(%arg12 : memref<128x128xbf16, #tpu.memory_space<vmem>>) offsets(%dma_start3A_43 : memref<128xi32, #tpu.memory_space<vmem>>) semaphore(%arg18 : memref<!tpu.dma_semaphore, #tpu.memory_space<semaphore_mem>>)
      %dma_wait3A = arith.constant 0 : i32
      %dma_wait3A_47 = tpu.memref_slice %arg10[%add3A_41, %dma_wait3A] : memref<64x128xi32, #tpu.memory_space<vmem>> -> memref<1x128xi32, #tpu.memory_space<vmem>>
      %dma_wait3A_48 = tpu.memref_squeeze %dma_wait3A_47 : memref<1x128xi32, #tpu.memory_space<vmem>> -> memref<128xi32, #tpu.memory_space<vmem>>
      %dma_wait3A_49 = arith.constant 0 : i32
      %dma_wait3A_50 = arith.constant 0 : i32
      %dma_wait3A_51 = tpu.memref_slice %arg2[%dma_wait3A_49, %dma_wait3A_50] : memref<10000x128xbf16, #tpu.memory_space<hbm>> -> memref<10000x128xbf16, #tpu.memory_space<hbm>>
      tpu.wait_indirect_dma semaphore(%arg18 : memref<!tpu.dma_semaphore, #tpu.memory_space<semaphore_mem>>) src(%dma_wait3A_51 : memref<10000x128xbf16, #tpu.memory_space<hbm>>) dst(%arg12 : memref<128x128xbf16, #tpu.memory_space<vmem>>)
      "tpu.region"() ({
        %run_scoped3A = tpu.sem_alloc : memref<!tpu.dma_semaphore, #tpu.memory_space<semaphore_mem>>
        %dma_start3A_52 = arith.constant 0 : i32
        %dma_start3A_53 = tpu.memref_slice %arg11[%add3A_41, %dma_start3A_52] : memref<64x128xi32, #tpu.memory_space<vmem>> -> memref<1x128xi32, #tpu.memory_space<vmem>>
        %dma_start3A_54 = tpu.memref_squeeze %dma_start3A_53 : memref<1x128xi32, #tpu.memory_space<vmem>> -> memref<128xi32, #tpu.memory_space<vmem>>
        %dma_start3A_55 = arith.constant 0 : i32
        %dma_start3A_56 = arith.constant 0 : i32
        %dma_start3A_57 = tpu.memref_slice %arg17[%dma_start3A_55, %dma_start3A_56] : memref<10240x16xf32, #tpu.memory_space<vmem_shared>> -> memref<10240x16xf32, #tpu.memory_space<vmem_shared>>
        tpu.enqueue_indirect_dma source(%arg14 : memref<128x16xf32, #tpu.memory_space<vmem>>) target(%dma_start3A_57 : memref<10240x16xf32, #tpu.memory_space<vmem_shared>>) offsets(%dma_start3A_54 : memref<128xi32, #tpu.memory_space<vmem>>) semaphore(%run_scoped3A : memref<!tpu.dma_semaphore, #tpu.memory_space<semaphore_mem>>) {add = true}
        %dma_wait3A_58 = arith.constant 0 : i32
        %dma_wait3A_59 = tpu.memref_slice %arg11[%add3A_41, %dma_wait3A_58] : memref<64x128xi32, #tpu.memory_space<vmem>> -> memref<1x128xi32, #tpu.memory_space<vmem>>
        %dma_wait3A_60 = tpu.memref_squeeze %dma_wait3A_59 : memref<1x128xi32, #tpu.memory_space<vmem>> -> memref<128xi32, #tpu.memory_space<vmem>>
        %dma_wait3A_61 = arith.constant 0 : i32
        %dma_wait3A_62 = arith.constant 0 : i32
        %dma_wait3A_63 = tpu.memref_slice %arg17[%dma_wait3A_61, %dma_wait3A_62] : memref<10240x16xf32, #tpu.memory_space<vmem_shared>> -> memref<10240x16xf32, #tpu.memory_space<vmem_shared>>
        tpu.wait_indirect_dma semaphore(%run_scoped3A : memref<!tpu.dma_semaphore, #tpu.memory_space<semaphore_mem>>) src(%arg14 : memref<128x16xf32, #tpu.memory_space<vmem>>) dst(%dma_wait3A_63 : memref<10240x16xf32, #tpu.memory_space<vmem_shared>>)
        tpu.yield
      }) : () -> ()
      "tpu.region"() ({
        %run_scoped3A = tpu.sem_alloc : memref<!tpu.dma_semaphore, #tpu.memory_space<semaphore_mem>>
        %dma_start3A_52 = arith.constant 0 : i32
        %dma_start3A_53 = tpu.memref_slice %arg11[%add3A_41, %dma_start3A_52] : memref<64x128xi32, #tpu.memory_space<vmem>> -> memref<1x128xi32, #tpu.memory_space<vmem>>
        %dma_start3A_54 = tpu.memref_squeeze %dma_start3A_53 : memref<1x128xi32, #tpu.memory_space<vmem>> -> memref<128xi32, #tpu.memory_space<vmem>>
        %dma_start3A_55 = arith.constant 0 : i32
        %dma_start3A_56 = arith.constant 0 : i32
        %dma_start3A_57 = tpu.memref_slice %arg16[%dma_start3A_55, %dma_start3A_56] : memref<10240x128xbf16, #tpu.memory_space<vmem_shared>> -> memref<10240x128xbf16, #tpu.memory_space<vmem_shared>>
        tpu.enqueue_indirect_dma source(%arg12 : memref<128x128xbf16, #tpu.memory_space<vmem>>) target(%dma_start3A_57 : memref<10240x128xbf16, #tpu.memory_space<vmem_shared>>) offsets(%dma_start3A_54 : memref<128xi32, #tpu.memory_space<vmem>>) semaphore(%run_scoped3A : memref<!tpu.dma_semaphore, #tpu.memory_space<semaphore_mem>>) {add = true}
        %dma_wait3A_58 = arith.constant 0 : i32
        %dma_wait3A_59 = tpu.memref_slice %arg11[%add3A_41, %dma_wait3A_58] : memref<64x128xi32, #tpu.memory_space<vmem>> -> memref<1x128xi32, #tpu.memory_space<vmem>>
        %dma_wait3A_60 = tpu.memref_squeeze %dma_wait3A_59 : memref<1x128xi32, #tpu.memory_space<vmem>> -> memref<128xi32, #tpu.memory_space<vmem>>
        %dma_wait3A_61 = arith.constant 0 : i32
        %dma_wait3A_62 = arith.constant 0 : i32
        %dma_wait3A_63 = tpu.memref_slice %arg16[%dma_wait3A_61, %dma_wait3A_62] : memref<10240x128xbf16, #tpu.memory_space<vmem_shared>> -> memref<10240x128xbf16, #tpu.memory_space<vmem_shared>>
        tpu.wait_indirect_dma semaphore(%run_scoped3A : memref<!tpu.dma_semaphore, #tpu.memory_space<semaphore_mem>>) src(%arg12 : memref<128x128xbf16, #tpu.memory_space<vmem>>) dst(%dma_wait3A_63 : memref<10240x128xbf16, #tpu.memory_space<vmem_shared>>)
        tpu.yield
      }) : () -> ()
    } else {
    }
    %barrier3A_32 = arith.constant 0 : index
    tpu.barrier barrier_id(%barrier3A_32)
    "tpu.trace_stop"() : () -> ()
    "tpu.trace_start"() <{level = 10 : i32, message = "p1_read"}> : () -> ()
    %scan3A_33 = arith.constant 0 : i32
    %scan3A_34 = arith.constant 0 : i32
    %scan3A_35 = arith.constant 10 : i32
    %scan3A_36 = arith.addi %scan3A_34, %scan3A_35 : i32
    %scan3A_37 = arith.constant 1 : i32
    scf.for %scan3A_39 = %scan3A_34 to %scan3A_36 step %scan3A_37  : i32 {
      %mul3A_40 = arith.constant 64 : i32
      %mul3A_41 = arith.muli %scan3A_39, %mul3A_40 : i32
      %add3A_42 = arith.addi %mul3A_16, %mul3A_41 : i32
      "tpu.region"() ({
        %run_scoped3A = tpu.sem_alloc : memref<!tpu.dma_semaphore, #tpu.memory_space<semaphore_mem>>
        %dma_start3A = arith.constant 0 : i32
        %dma_start3A_52 = arith.constant 0 : i32
        %dma_start3A_53 = tpu.memref_slice %arg12[%dma_start3A, %dma_start3A_52] : memref<128x128xbf16, #tpu.memory_space<vmem>> -> memref<64x128xbf16, #tpu.memory_space<vmem>>
        %dma_start3A_54 = arith.constant 0 : i32
        %dma_start3A_55 = tpu.memref_slice %arg16[%add3A_42, %dma_start3A_54] : memref<10240x128xbf16, #tpu.memory_space<vmem_shared>> -> memref<64x128xbf16, #tpu.memory_space<vmem_shared>>
        %dma_start3A_56 = arith.constant 0 : i32
        %dma_start3A_57 = arith.constant 0 : i32
        %dma_start3A_58 = tpu.memref_slice %arg12[%dma_start3A_56, %dma_start3A_57] : memref<128x128xbf16, #tpu.memory_space<vmem>> -> memref<64x128xbf16, #tpu.memory_space<vmem>>
        %dma_start3A_59 = arith.constant 0 : i32
        %dma_start3A_60 = tpu.memref_slice %arg16[%add3A_42, %dma_start3A_59] : memref<10240x128xbf16, #tpu.memory_space<vmem_shared>> -> memref<64x128xbf16, #tpu.memory_space<vmem_shared>>
        tpu.enqueue_dma source(%dma_start3A_60 : memref<64x128xbf16, #tpu.memory_space<vmem_shared>>) target(%dma_start3A_58 : memref<64x128xbf16, #tpu.memory_space<vmem>>) target_semaphore(%run_scoped3A : memref<!tpu.dma_semaphore, #tpu.memory_space<semaphore_mem>>)
        %dma_wait3A = arith.constant 0 : i32
        %dma_wait3A_61 = arith.constant 0 : i32
        %dma_wait3A_62 = tpu.memref_slice %arg12[%dma_wait3A, %dma_wait3A_61] : memref<128x128xbf16, #tpu.memory_space<vmem>> -> memref<64x128xbf16, #tpu.memory_space<vmem>>
        %dma_wait3A_63 = arith.constant 0 : i32
        %dma_wait3A_64 = tpu.memref_slice %arg16[%add3A_42, %dma_wait3A_63] : memref<10240x128xbf16, #tpu.memory_space<vmem_shared>> -> memref<64x128xbf16, #tpu.memory_space<vmem_shared>>
        %dma_wait3A_65 = arith.constant 0 : i32
        %dma_wait3A_66 = arith.constant 0 : i32
        %dma_wait3A_67 = tpu.memref_slice %arg12[%dma_wait3A_65, %dma_wait3A_66] : memref<128x128xbf16, #tpu.memory_space<vmem>> -> memref<64x128xbf16, #tpu.memory_space<vmem>>
        %dma_wait3A_68 = arith.constant 0 : i32
        %dma_wait3A_69 = tpu.memref_slice %arg16[%add3A_42, %dma_wait3A_68] : memref<10240x128xbf16, #tpu.memory_space<vmem_shared>> -> memref<64x128xbf16, #tpu.memory_space<vmem_shared>>
        tpu.wait_dma2 semaphore(%run_scoped3A : memref<!tpu.dma_semaphore, #tpu.memory_space<semaphore_mem>>) src(%dma_wait3A_69 : memref<64x128xbf16, #tpu.memory_space<vmem_shared>>) dst(%dma_wait3A_67 : memref<64x128xbf16, #tpu.memory_space<vmem>>)
        tpu.yield
      }) : () -> ()
      %mul3A_43 = arith.constant 64 : i32
      %mul3A_44 = arith.muli %scan3A_39, %mul3A_43 : i32
      %add3A_45 = arith.addi %mul3A_16, %mul3A_44 : i32
      "tpu.region"() ({
        %run_scoped3A = tpu.sem_alloc : memref<!tpu.dma_semaphore, #tpu.memory_space<semaphore_mem>>
        %dma_start3A = arith.constant 0 : i32
        %dma_start3A_52 = arith.constant 0 : i32
        %dma_start3A_53 = tpu.memref_slice %arg12[%dma_start3A, %dma_start3A_52] : memref<128x128xbf16, #tpu.memory_space<vmem>> -> memref<64x128xbf16, #tpu.memory_space<vmem>>
        %dma_start3A_54 = arith.constant 0 : i32
        %dma_start3A_55 = tpu.memref_slice %arg8[%arg0, %add3A_45, %dma_start3A_54] : memref<2x10240x128xbf16, #tpu.memory_space<hbm>> -> memref<1x64x128xbf16, #tpu.memory_space<hbm>>
        %dma_start3A_56 = tpu.memref_squeeze %dma_start3A_55 : memref<1x64x128xbf16, #tpu.memory_space<hbm>> -> memref<64x128xbf16, #tpu.memory_space<hbm>>
        %dma_start3A_57 = arith.constant 0 : i32
        %dma_start3A_58 = tpu.memref_slice %arg8[%arg0, %add3A_45, %dma_start3A_57] : memref<2x10240x128xbf16, #tpu.memory_space<hbm>> -> memref<1x64x128xbf16, #tpu.memory_space<hbm>>
        %dma_start3A_59 = tpu.memref_squeeze %dma_start3A_58 : memref<1x64x128xbf16, #tpu.memory_space<hbm>> -> memref<64x128xbf16, #tpu.memory_space<hbm>>
        %dma_start3A_60 = arith.constant 0 : i32
        %dma_start3A_61 = arith.constant 0 : i32
        %dma_start3A_62 = tpu.memref_slice %arg12[%dma_start3A_60, %dma_start3A_61] : memref<128x128xbf16, #tpu.memory_space<vmem>> -> memref<64x128xbf16, #tpu.memory_space<vmem>>
        tpu.enqueue_dma source(%dma_start3A_62 : memref<64x128xbf16, #tpu.memory_space<vmem>>) target(%dma_start3A_59 : memref<64x128xbf16, #tpu.memory_space<hbm>>) target_semaphore(%run_scoped3A : memref<!tpu.dma_semaphore, #tpu.memory_space<semaphore_mem>>)
        %dma_wait3A = arith.constant 0 : i32
        %dma_wait3A_63 = arith.constant 0 : i32
        %dma_wait3A_64 = tpu.memref_slice %arg12[%dma_wait3A, %dma_wait3A_63] : memref<128x128xbf16, #tpu.memory_space<vmem>> -> memref<64x128xbf16, #tpu.memory_space<vmem>>
        %dma_wait3A_65 = arith.constant 0 : i32
        %dma_wait3A_66 = tpu.memref_slice %arg8[%arg0, %add3A_45, %dma_wait3A_65] : memref<2x10240x128xbf16, #tpu.memory_space<hbm>> -> memref<1x64x128xbf16, #tpu.memory_space<hbm>>
        %dma_wait3A_67 = tpu.memref_squeeze %dma_wait3A_66 : memref<1x64x128xbf16, #tpu.memory_space<hbm>> -> memref<64x128xbf16, #tpu.memory_space<hbm>>
        %dma_wait3A_68 = arith.constant 0 : i32
        %dma_wait3A_69 = tpu.memref_slice %arg8[%arg0, %add3A_45, %dma_wait3A_68] : memref<2x10240x128xbf16, #tpu.memory_space<hbm>> -> memref<1x64x128xbf16, #tpu.memory_space<hbm>>
        %dma_wait3A_70 = tpu.memref_squeeze %dma_wait3A_69 : memref<1x64x128xbf16, #tpu.memory_space<hbm>> -> memref<64x128xbf16, #tpu.memory_space<hbm>>
        %dma_wait3A_71 = arith.constant 0 : i32
        %dma_wait3A_72 = arith.constant 0 : i32
        %dma_wait3A_73 = tpu.memref_slice %arg12[%dma_wait3A_71, %dma_wait3A_72] : memref<128x128xbf16, #tpu.memory_space<vmem>> -> memref<64x128xbf16, #tpu.memory_space<vmem>>
        tpu.wait_dma2 semaphore(%run_scoped3A : memref<!tpu.dma_semaphore, #tpu.memory_space<semaphore_mem>>) src(%dma_wait3A_73 : memref<64x128xbf16, #tpu.memory_space<vmem>>) dst(%dma_wait3A_70 : memref<64x128xbf16, #tpu.memory_space<hbm>>)
        tpu.yield
      }) : () -> ()
      %mul3A_46 = arith.constant 64 : i32
      %mul3A_47 = arith.muli %scan3A_39, %mul3A_46 : i32
      %add3A_48 = arith.addi %mul3A_16, %mul3A_47 : i32
      "tpu.region"() ({
        %run_scoped3A = tpu.sem_alloc : memref<!tpu.dma_semaphore, #tpu.memory_space<semaphore_mem>>
        %dma_start3A = arith.constant 0 : i32
        %dma_start3A_52 = tpu.memref_slice %arg17[%add3A_48, %dma_start3A] : memref<10240x16xf32, #tpu.memory_space<vmem_shared>> -> memref<64x16xf32, #tpu.memory_space<vmem_shared>>
        %dma_start3A_53 = arith.constant 0 : i32
        %dma_start3A_54 = tpu.memref_slice %arg17[%add3A_48, %dma_start3A_53] : memref<10240x16xf32, #tpu.memory_space<vmem_shared>> -> memref<64x16xf32, #tpu.memory_space<vmem_shared>>
        tpu.enqueue_dma source(%dma_start3A_54 : memref<64x16xf32, #tpu.memory_space<vmem_shared>>) target(%arg15 : memref<64x16xf32, #tpu.memory_space<vmem>>) target_semaphore(%run_scoped3A : memref<!tpu.dma_semaphore, #tpu.memory_space<semaphore_mem>>)
        %dma_wait3A = arith.constant 0 : i32
        %dma_wait3A_55 = tpu.memref_slice %arg17[%add3A_48, %dma_wait3A] : memref<10240x16xf32, #tpu.memory_space<vmem_shared>> -> memref<64x16xf32, #tpu.memory_space<vmem_shared>>
        %dma_wait3A_56 = arith.constant 0 : i32
        %dma_wait3A_57 = tpu.memref_slice %arg17[%add3A_48, %dma_wait3A_56] : memref<10240x16xf32, #tpu.memory_space<vmem_shared>> -> memref<64x16xf32, #tpu.memory_space<vmem_shared>>
        tpu.wait_dma2 semaphore(%run_scoped3A : memref<!tpu.dma_semaphore, #tpu.memory_space<semaphore_mem>>) src(%dma_wait3A_57 : memref<64x16xf32, #tpu.memory_space<vmem_shared>>) dst(%arg15 : memref<64x16xf32, #tpu.memory_space<vmem>>)
        tpu.yield
      }) : () -> ()
      %mul3A_49 = arith.constant 64 : i32
      %mul3A_50 = arith.muli %scan3A_39, %mul3A_49 : i32
      %add3A_51 = arith.addi %mul3A_16, %mul3A_50 : i32
      "tpu.region"() ({
        %run_scoped3A = tpu.sem_alloc : memref<!tpu.dma_semaphore, #tpu.memory_space<semaphore_mem>>
        %dma_start3A = arith.constant 0 : i32
        %dma_start3A_52 = tpu.memref_slice %arg9[%arg0, %add3A_51, %dma_start3A] : memref<2x10240x16xf32, #tpu.memory_space<hbm>> -> memref<1x64x16xf32, #tpu.memory_space<hbm>>
        %dma_start3A_53 = tpu.memref_squeeze %dma_start3A_52 : memref<1x64x16xf32, #tpu.memory_space<hbm>> -> memref<64x16xf32, #tpu.memory_space<hbm>>
        %dma_start3A_54 = arith.constant 0 : i32
        %dma_start3A_55 = tpu.memref_slice %arg9[%arg0, %add3A_51, %dma_start3A_54] : memref<2x10240x16xf32, #tpu.memory_space<hbm>> -> memref<1x64x16xf32, #tpu.memory_space<hbm>>
        %dma_start3A_56 = tpu.memref_squeeze %dma_start3A_55 : memref<1x64x16xf32, #tpu.memory_space<hbm>> -> memref<64x16xf32, #tpu.memory_space<hbm>>
        tpu.enqueue_dma source(%arg15 : memref<64x16xf32, #tpu.memory_space<vmem>>) target(%dma_start3A_56 : memref<64x16xf32, #tpu.memory_space<hbm>>) target_semaphore(%run_scoped3A : memref<!tpu.dma_semaphore, #tpu.memory_space<semaphore_mem>>)
        %dma_wait3A = arith.constant 0 : i32
        %dma_wait3A_57 = tpu.memref_slice %arg9[%arg0, %add3A_51, %dma_wait3A] : memref<2x10240x16xf32, #tpu.memory_space<hbm>> -> memref<1x64x16xf32, #tpu.memory_space<hbm>>
        %dma_wait3A_58 = tpu.memref_squeeze %dma_wait3A_57 : memref<1x64x16xf32, #tpu.memory_space<hbm>> -> memref<64x16xf32, #tpu.memory_space<hbm>>
        %dma_wait3A_59 = arith.constant 0 : i32
        %dma_wait3A_60 = tpu.memref_slice %arg9[%arg0, %add3A_51, %dma_wait3A_59] : memref<2x10240x16xf32, #tpu.memory_space<hbm>> -> memref<1x64x16xf32, #tpu.memory_space<hbm>>
        %dma_wait3A_61 = tpu.memref_squeeze %dma_wait3A_60 : memref<1x64x16xf32, #tpu.memory_space<hbm>> -> memref<64x16xf32, #tpu.memory_space<hbm>>
        tpu.wait_dma2 semaphore(%run_scoped3A : memref<!tpu.dma_semaphore, #tpu.memory_space<semaphore_mem>>) src(%arg15 : memref<64x16xf32, #tpu.memory_space<vmem>>) dst(%dma_wait3A_61 : memref<64x16xf32, #tpu.memory_space<hbm>>)
        tpu.yield
      }) : () -> ()
    }
    %scan3A_38 = arith.constant 10 : i32
    "tpu.trace_stop"() : () -> ()
    return
  }
}

module attributes {stable_mosaic.version = 14 : i64} {
  func.func @_dense1_body(%arg0: i32, %arg1: memref<2x2000x128xbf16, #tpu.memory_space<vmem>>, %arg2: memref<2x2000x16xf32, #tpu.memory_space<vmem>>, %arg3: memref<2000x128xbf16, #tpu.memory_space<vmem>>, %arg4: memref<128x800xbf16, #tpu.memory_space<vmem>>, %arg5: memref<128x800xbf16, #tpu.memory_space<vmem>>, %arg6: memref<128x800xbf16, #tpu.memory_space<vmem>>, %arg7: memref<1x800xf32, #tpu.memory_space<vmem>>, %arg8: memref<1x800xf32, #tpu.memory_space<vmem>>, %arg9: memref<800x24xbf16, #tpu.memory_space<vmem>>, %arg10: memref<1x8xf32, #tpu.memory_space<vmem>>, %arg11: memref<1x8xf32, #tpu.memory_space<vmem>>, %arg12: memref<2000x16xf32, #tpu.memory_space<vmem>>, %arg13: memref<2000x8xf32, #tpu.memory_space<vmem>>) attributes {dimension_semantics = [#tpu.dimension_semantics<arbitrary>], iteration_bounds = array<i64: 5>, scalar_prefetch = 0 : i64, scratch_operands = 0 : i64, tpu.core_type = #tpu.core_type<tc>, window_params = [{transform_indices = @transform_0, window_bounds = array<i64: 2, 2000, 128>}, {transform_indices = @transform_1, window_bounds = array<i64: 2, 2000, 16>}, {transform_indices = @transform_2, window_bounds = array<i64: 2000, 128>}, {pipeline_mode = #tpu.pipeline_mode<synchronous>, transform_indices = @transform_3, window_bounds = array<i64: 128, 800>}, {pipeline_mode = #tpu.pipeline_mode<synchronous>, transform_indices = @transform_4, window_bounds = array<i64: 128, 800>}, {pipeline_mode = #tpu.pipeline_mode<synchronous>, transform_indices = @transform_5, window_bounds = array<i64: 128, 800>}, {pipeline_mode = #tpu.pipeline_mode<synchronous>, transform_indices = @transform_6, window_bounds = array<i64: 1, 800>}, {pipeline_mode = #tpu.pipeline_mode<synchronous>, transform_indices = @transform_7, window_bounds = array<i64: 1, 800>}, {pipeline_mode = #tpu.pipeline_mode<synchronous>, transform_indices = @transform_8, window_bounds = array<i64: 800, 24>}, {pipeline_mode = #tpu.pipeline_mode<synchronous>, transform_indices = @transform_9, window_bounds = array<i64: 1, 8>}, {pipeline_mode = #tpu.pipeline_mode<synchronous>, transform_indices = @transform_10, window_bounds = array<i64: 1, 8>}, {transform_indices = @transform_11, window_bounds = array<i64: 2000, 16>}, {transform_indices = @transform_12, window_bounds = array<i64: 2000, 8>}]} {
    %get3A = arith.constant 0 : index
    %get3A_0 = arith.constant 0 : index
    %get3A_1 = arith.constant 0 : index
    %get3A_2 = vector.load %arg1[%get3A, %get3A_0, %get3A_1] : memref<2x2000x128xbf16, #tpu.memory_space<vmem>>, vector<1x2000x128xbf16>
    %get3A_3 = vector.shape_cast %get3A_2 : vector<1x2000x128xbf16> to vector<2000x128xbf16>
    %get3A_4 = arith.constant 1 : index
    %get3A_5 = arith.constant 0 : index
    %get3A_6 = arith.constant 0 : index
    %get3A_7 = vector.load %arg1[%get3A_4, %get3A_5, %get3A_6] : memref<2x2000x128xbf16, #tpu.memory_space<vmem>>, vector<1x2000x128xbf16>
    %get3A_8 = vector.shape_cast %get3A_7 : vector<1x2000x128xbf16> to vector<2000x128xbf16>
    %add3A = arith.addf %get3A_3, %get3A_8 : vector<2000x128xbf16>
    %get3A_9 = arith.constant 0 : index
    %get3A_10 = arith.constant 0 : index
    %get3A_11 = arith.constant 0 : index
    %get3A_12 = vector.load %arg2[%get3A_9, %get3A_10, %get3A_11] : memref<2x2000x16xf32, #tpu.memory_space<vmem>>, vector<1x2000x1xf32>
    %get3A_13 = vector.shape_cast %get3A_12 : vector<1x2000x1xf32> to vector<2000x1xf32>
    %get3A_14 = arith.constant 1 : index
    %get3A_15 = arith.constant 0 : index
    %get3A_16 = arith.constant 0 : index
    %get3A_17 = vector.load %arg2[%get3A_14, %get3A_15, %get3A_16] : memref<2x2000x16xf32, #tpu.memory_space<vmem>>, vector<1x2000x1xf32>
    %get3A_18 = vector.shape_cast %get3A_17 : vector<1x2000x1xf32> to vector<2000x1xf32>
    %add3A_19 = arith.addf %get3A_13, %get3A_18 : vector<2000x1xf32>
    %get3A_20 = arith.constant 0 : index
    %get3A_21 = arith.constant 0 : index
    %get3A_22 = vector.load %arg3[%get3A_20, %get3A_21] : memref<2000x128xbf16, #tpu.memory_space<vmem>>, vector<2000x128xbf16>
    %convert_element_type3A = arith.extf %get3A_22 : vector<2000x128xbf16> to vector<2000x128xf32>
    %neg3A = arith.constant 0.000000e+00 : f32
    %neg3A_23 = vector.broadcast %neg3A : f32 to vector<2000x1xf32>
    %neg3A_24 = arith.subf %neg3A_23, %add3A_19 : vector<2000x1xf32>
    %mul3A = vector.broadcast %neg3A_24 : vector<2000x1xf32> to vector<2000x128xf32>
    %mul3A_25 = arith.mulf %convert_element_type3A, %mul3A : vector<2000x128xf32>
    %convert_element_type3A_26 = arith.truncf %mul3A_25 : vector<2000x128xf32> to vector<2000x128xbf16>
    %get3A_27 = arith.constant 0 : index
    %get3A_28 = arith.constant 0 : index
    %get3A_29 = vector.load %arg4[%get3A_27, %get3A_28] : memref<128x800xbf16, #tpu.memory_space<vmem>>, vector<128x800xbf16>
    %dot_general3A = arith.constant dense<0.000000e+00> : vector<2000x800xf32>
    %dot_general3A_30 = tpu.matmul %add3A, %get3A_29, %dot_general3A {dimension_numbers = #tpu.dot_dimension_numbers<[1], [0], [0], [1], [0, 0, 1, 1], [], []>, transpose_lhs_hint = false} : vector<2000x128xbf16>, vector<128x800xbf16>, vector<2000x800xf32> -> vector<2000x800xf32>
    %get3A_31 = arith.constant 0 : index
    %get3A_32 = arith.constant 0 : index
    %get3A_33 = vector.load %arg5[%get3A_31, %get3A_32] : memref<128x800xbf16, #tpu.memory_space<vmem>>, vector<128x800xbf16>
    %dot_general3A_34 = arith.constant dense<0.000000e+00> : vector<2000x800xf32>
    %dot_general3A_35 = tpu.matmul %convert_element_type3A_26, %get3A_33, %dot_general3A_34 {dimension_numbers = #tpu.dot_dimension_numbers<[1], [0], [0], [1], [0, 0, 1, 1], [], []>, transpose_lhs_hint = false} : vector<2000x128xbf16>, vector<128x800xbf16>, vector<2000x800xf32> -> vector<2000x800xf32>
    %add3A_36 = arith.addf %dot_general3A_30, %dot_general3A_35 : vector<2000x800xf32>
    %get3A_37 = arith.constant 0 : index
    %get3A_38 = arith.constant 0 : index
    %get3A_39 = vector.load %arg3[%get3A_37, %get3A_38] : memref<2000x128xbf16, #tpu.memory_space<vmem>>, vector<2000x128xbf16>
    %get3A_40 = arith.constant 0 : index
    %get3A_41 = arith.constant 0 : index
    %get3A_42 = vector.load %arg6[%get3A_40, %get3A_41] : memref<128x800xbf16, #tpu.memory_space<vmem>>, vector<128x800xbf16>
    %dot_general3A_43 = arith.constant dense<0.000000e+00> : vector<2000x800xf32>
    %dot_general3A_44 = tpu.matmul %get3A_39, %get3A_42, %dot_general3A_43 {dimension_numbers = #tpu.dot_dimension_numbers<[1], [0], [0], [1], [0, 0, 1, 1], [], []>, transpose_lhs_hint = false} : vector<2000x128xbf16>, vector<128x800xbf16>, vector<2000x800xf32> -> vector<2000x800xf32>
    %add3A_45 = arith.addf %add3A_36, %dot_general3A_44 : vector<2000x800xf32>
    %get3A_46 = arith.constant 0 : index
    %get3A_47 = arith.constant 0 : index
    %get3A_48 = vector.load %arg7[%get3A_46, %get3A_47] : memref<1x800xf32, #tpu.memory_space<vmem>>, vector<1x800xf32>
    %mul3A_49 = vector.broadcast %add3A_19 : vector<2000x1xf32> to vector<2000x800xf32>
    %mul3A_50 = vector.broadcast %get3A_48 : vector<1x800xf32> to vector<2000x800xf32>
    %mul3A_51 = arith.mulf %mul3A_49, %mul3A_50 : vector<2000x800xf32>
    %add3A_52 = arith.addf %add3A_45, %mul3A_51 : vector<2000x800xf32>
    %get3A_53 = arith.constant 0 : index
    %get3A_54 = arith.constant 0 : index
    %get3A_55 = vector.load %arg8[%get3A_53, %get3A_54] : memref<1x800xf32, #tpu.memory_space<vmem>>, vector<1x800xf32>
    %add3A_56 = vector.broadcast %get3A_55 : vector<1x800xf32> to vector<2000x800xf32>
    %add3A_57 = arith.addf %add3A_52, %add3A_56 : vector<2000x800xf32>
    %max3A = arith.constant 0.000000e+00 : f32
    %max3A_58 = vector.broadcast %max3A : f32 to vector<2000x800xf32>
    %max3A_59 = arith.maximumf %add3A_57, %max3A_58 : vector<2000x800xf32>
    %convert_element_type3A_60 = arith.truncf %max3A_59 : vector<2000x800xf32> to vector<2000x800xbf16>
    %get3A_61 = arith.constant 0 : index
    %get3A_62 = arith.constant 0 : index
    %get3A_63 = vector.load %arg9[%get3A_61, %get3A_62] : memref<800x24xbf16, #tpu.memory_space<vmem>>, vector<800x24xbf16>
    %dot_general3A_64 = arith.constant dense<0.000000e+00> : vector<2000x24xf32>
    %dot_general3A_65 = tpu.matmul %convert_element_type3A_60, %get3A_63, %dot_general3A_64 {dimension_numbers = #tpu.dot_dimension_numbers<[1], [0], [0], [1], [0, 0, 1, 1], [], []>, transpose_lhs_hint = false} : vector<2000x800xbf16>, vector<800x24xbf16>, vector<2000x24xf32> -> vector<2000x24xf32>
    %slice3A = vector.extract_strided_slice %dot_general3A_65 {offsets = [0, 0], sizes = [2000, 8], strides = [1, 1]} : vector<2000x24xf32> to vector<2000x8xf32>
    %broadcast_in_dim3A = arith.constant 0.000000e+00 : f32
    %broadcast_in_dim3A_66 = vector.broadcast %broadcast_in_dim3A : f32 to vector<2000x8xf32>
    %concatenate3A = tpu.concatenate %slice3A, %broadcast_in_dim3A_66 in 1 : vector<2000x8xf32>, vector<2000x8xf32> -> vector<2000x16xf32>
    %swap3A = arith.constant 0 : index
    %swap3A_67 = arith.constant 0 : index
    %swap3A_68 = vector.load %arg12[%swap3A, %swap3A_67] : memref<2000x16xf32, #tpu.memory_space<vmem>>, vector<2000x16xf32>
    tpu.vector_store %arg12[%swap3A, %swap3A_67], %concatenate3A {strides = array<i32>} : memref<2000x16xf32, #tpu.memory_space<vmem>>, vector<2000x16xf32>,
    %get3A_69 = arith.constant 0 : index
    %get3A_70 = arith.constant 0 : index
    %get3A_71 = vector.load %arg10[%get3A_69, %get3A_70] : memref<1x8xf32, #tpu.memory_space<vmem>>, vector<1x8xf32>
    %mul3A_72 = vector.broadcast %add3A_19 : vector<2000x1xf32> to vector<2000x8xf32>
    %mul3A_73 = vector.broadcast %get3A_71 : vector<1x8xf32> to vector<2000x8xf32>
    %mul3A_74 = arith.mulf %mul3A_72, %mul3A_73 : vector<2000x8xf32>
    %slice3A_75 = vector.extract_strided_slice %dot_general3A_65 {offsets = [0, 8], sizes = [2000, 8], strides = [1, 1]} : vector<2000x24xf32> to vector<2000x8xf32>
    %mul3A_76 = vector.broadcast %add3A_19 : vector<2000x1xf32> to vector<2000x8xf32>
    %mul3A_77 = arith.mulf %mul3A_76, %slice3A_75 : vector<2000x8xf32>
    %sub3A = arith.subf %mul3A_74, %mul3A_77 : vector<2000x8xf32>
    %slice3A_78 = vector.extract_strided_slice %dot_general3A_65 {offsets = [0, 16], sizes = [2000, 8], strides = [1, 1]} : vector<2000x24xf32> to vector<2000x8xf32>
    %add3A_79 = arith.addf %sub3A, %slice3A_78 : vector<2000x8xf32>
    %get3A_80 = arith.constant 0 : index
    %get3A_81 = arith.constant 0 : index
    %get3A_82 = vector.load %arg11[%get3A_80, %get3A_81] : memref<1x8xf32, #tpu.memory_space<vmem>>, vector<1x8xf32>
    %add3A_83 = vector.broadcast %get3A_82 : vector<1x8xf32> to vector<2000x8xf32>
    %add3A_84 = arith.addf %add3A_79, %add3A_83 : vector<2000x8xf32>
    %swap3A_85 = arith.constant 0 : index
    %swap3A_86 = arith.constant 0 : index
    %swap3A_87 = vector.load %arg13[%swap3A_85, %swap3A_86] : memref<2000x8xf32, #tpu.memory_space<vmem>>, vector<2000x8xf32>
    tpu.vector_store %arg13[%swap3A_85, %swap3A_86], %add3A_84 {strides = array<i32>} : memref<2000x8xf32, #tpu.memory_space<vmem>>, vector<2000x8xf32>,
    return
  }
  func.func @transform_0(%arg0: i32) -> (i32, i32, i32) {
    %c0_i32 = arith.constant 0 : i32
    %c0_i32_0 = arith.constant 0 : i32
    %c0_i32_1 = arith.constant 0 : i32
    return %c0_i32, %arg0, %c0_i32_0 : i32, i32, i32
  }
  func.func @transform_1(%arg0: i32) -> (i32, i32, i32) {
    %c0_i32 = arith.constant 0 : i32
    %c0_i32_0 = arith.constant 0 : i32
    %c0_i32_1 = arith.constant 0 : i32
    return %c0_i32, %arg0, %c0_i32_0 : i32, i32, i32
  }
  func.func @transform_2(%arg0: i32) -> (i32, i32) {
    %c0_i32 = arith.constant 0 : i32
    %c0_i32_0 = arith.constant 0 : i32
    return %arg0, %c0_i32 : i32, i32
  }
  func.func @transform_3(%arg0: i32) -> (i32, i32) {
    %c0_i32 = arith.constant 0 : i32
    %c0_i32_0 = arith.constant 0 : i32
    %c0_i32_1 = arith.constant 0 : i32
    return %c0_i32, %c0_i32_0 : i32, i32
  }
  func.func @transform_4(%arg0: i32) -> (i32, i32) {
    %c0_i32 = arith.constant 0 : i32
    %c0_i32_0 = arith.constant 0 : i32
    %c0_i32_1 = arith.constant 0 : i32
    return %c0_i32, %c0_i32_0 : i32, i32
  }
  func.func @transform_5(%arg0: i32) -> (i32, i32) {
    %c0_i32 = arith.constant 0 : i32
    %c0_i32_0 = arith.constant 0 : i32
    %c0_i32_1 = arith.constant 0 : i32
    return %c0_i32, %c0_i32_0 : i32, i32
  }
  func.func @transform_6(%arg0: i32) -> (i32, i32) {
    %c0_i32 = arith.constant 0 : i32
    %c0_i32_0 = arith.constant 0 : i32
    %c0_i32_1 = arith.constant 0 : i32
    return %c0_i32, %c0_i32_0 : i32, i32
  }
  func.func @transform_7(%arg0: i32) -> (i32, i32) {
    %c0_i32 = arith.constant 0 : i32
    %c0_i32_0 = arith.constant 0 : i32
    %c0_i32_1 = arith.constant 0 : i32
    return %c0_i32, %c0_i32_0 : i32, i32
  }
  func.func @transform_8(%arg0: i32) -> (i32, i32) {
    %c0_i32 = arith.constant 0 : i32
    %c0_i32_0 = arith.constant 0 : i32
    %c0_i32_1 = arith.constant 0 : i32
    return %c0_i32, %c0_i32_0 : i32, i32
  }
  func.func @transform_9(%arg0: i32) -> (i32, i32) {
    %c0_i32 = arith.constant 0 : i32
    %c0_i32_0 = arith.constant 0 : i32
    %c0_i32_1 = arith.constant 0 : i32
    return %c0_i32, %c0_i32_0 : i32, i32
  }
  func.func @transform_10(%arg0: i32) -> (i32, i32) {
    %c0_i32 = arith.constant 0 : i32
    %c0_i32_0 = arith.constant 0 : i32
    %c0_i32_1 = arith.constant 0 : i32
    return %c0_i32, %c0_i32_0 : i32, i32
  }
  func.func @transform_11(%arg0: i32) -> (i32, i32) {
    %c0_i32 = arith.constant 0 : i32
    %c0_i32_0 = arith.constant 0 : i32
    return %arg0, %c0_i32 : i32, i32
  }
  func.func @transform_12(%arg0: i32) -> (i32, i32) {
    %c0_i32 = arith.constant 0 : i32
    %c0_i32_0 = arith.constant 0 : i32
    return %arg0, %c0_i32 : i32, i32
  }
}

module attributes {stable_mosaic.version = 14 : i64} {
  func.func @_dense2_body(%arg0: i32, %arg1: memref<2x2000x16xf32, #tpu.memory_space<vmem>>, %arg2: memref<2000x8xf32, #tpu.memory_space<vmem>>, %arg3: memref<2000x8xf32, #tpu.memory_space<vmem>>) attributes {dimension_semantics = [#tpu.dimension_semantics<arbitrary>], iteration_bounds = array<i64: 5>, scalar_prefetch = 0 : i64, scratch_operands = 0 : i64, tpu.core_type = #tpu.core_type<tc>, window_params = [{transform_indices = @transform_0, window_bounds = array<i64: 2, 2000, 16>}, {transform_indices = @transform_1, window_bounds = array<i64: 2000, 8>}, {transform_indices = @transform_2, window_bounds = array<i64: 2000, 8>}]} {
    %get3A = arith.constant 0 : index
    %get3A_0 = arith.constant 0 : index
    %get3A_1 = arith.constant 0 : index
    %get3A_2 = vector.load %arg1[%get3A, %get3A_0, %get3A_1] : memref<2x2000x16xf32, #tpu.memory_space<vmem>>, vector<1x2000x8xf32>
    %get3A_3 = vector.shape_cast %get3A_2 : vector<1x2000x8xf32> to vector<2000x8xf32>
    %get3A_4 = arith.constant 1 : index
    %get3A_5 = arith.constant 0 : index
    %get3A_6 = arith.constant 0 : index
    %get3A_7 = vector.load %arg1[%get3A_4, %get3A_5, %get3A_6] : memref<2x2000x16xf32, #tpu.memory_space<vmem>>, vector<1x2000x8xf32>
    %get3A_8 = vector.shape_cast %get3A_7 : vector<1x2000x8xf32> to vector<2000x8xf32>
    %add3A = arith.addf %get3A_3, %get3A_8 : vector<2000x8xf32>
    %get3A_9 = arith.constant 0 : index
    %get3A_10 = arith.constant 0 : index
    %get3A_11 = vector.load %arg2[%get3A_9, %get3A_10] : memref<2000x8xf32, #tpu.memory_space<vmem>>, vector<2000x8xf32>
    %add3A_12 = arith.addf %add3A, %get3A_11 : vector<2000x8xf32>
    %max3A = arith.constant 0.000000e+00 : f32
    %max3A_13 = vector.broadcast %max3A : f32 to vector<2000x8xf32>
    %max3A_14 = arith.maximumf %add3A_12, %max3A_13 : vector<2000x8xf32>
    %swap3A = arith.constant 0 : index
    %swap3A_15 = arith.constant 0 : index
    %swap3A_16 = vector.load %arg3[%swap3A, %swap3A_15] : memref<2000x8xf32, #tpu.memory_space<vmem>>, vector<2000x8xf32>
    tpu.vector_store %arg3[%swap3A, %swap3A_15], %max3A_14 {strides = array<i32>} : memref<2000x8xf32, #tpu.memory_space<vmem>>, vector<2000x8xf32>,
    return
  }
  func.func @transform_0(%arg0: i32) -> (i32, i32, i32) {
    %c0_i32 = arith.constant 0 : i32
    %c0_i32_0 = arith.constant 0 : i32
    %c0_i32_1 = arith.constant 0 : i32
    return %c0_i32, %arg0, %c0_i32_0 : i32, i32, i32
  }
  func.func @transform_1(%arg0: i32) -> (i32, i32) {
    %c0_i32 = arith.constant 0 : i32
    %c0_i32_0 = arith.constant 0 : i32
    return %arg0, %c0_i32 : i32, i32
  }
  func.func @transform_2(%arg0: i32) -> (i32, i32) {
    %c0_i32 = arith.constant 0 : i32
    %c0_i32_0 = arith.constant 0 : i32
    return %arg0, %c0_i32 : i32, i32
  }
}

</mosaic_0001>

<sc_bundles>
// kernel: kernel.6.cloned.1.call-start
scs
__scs_entry_jumppad:
0x0: {  	(pc) =	sbr.rel $0x88, $3  }
0x1: {  	(tag) =	ssettag $0x0;
	lr =	simm.s32 $0x1  }
0x2: {  	[smem:$0x3F95] =	sst lr;
	_ =	strace $0xD0000000  }
0x3: {  	_ = 	snop  }
0x4: {  	_ = 	snop  }
0x5: {  	_ = 	snop  }
0x6: {  	_ = 	snop  }
0x7: {  	_ = 	snop  }
__scs_overlays_trampoline_lowered:
0x8: {  	[smem:$0x3FA4] =	sst s0  }
0x9: {  	[smem:$0x3FA5] =	sst s1  }
0xa: {  	[smem:$0x3FA6] =	sst s2  }
0xb: {  	[smem:$0x3FA7] =	sst s3  }
0xc: {  	[smem:$0x3FA8] =	sst s4  }
0xd: {  	[smem:$0x3FA9] =	sst s5  }
0xe: {  	[smem:$0x3FAA] =	sst s6  }
0xf: {  	[smem:$0x3FAB] =	sst s7  }
0x10: {  	[smem:$0x3FAC] =	sst s8  }
0x11: {  	[smem:$0x3FAD] =	sst s9;
	s0 =	simm.s32 @!p0 $0x0  }
0x12: {  	s1 =	sld [smem:$0x3F93];
	s0 =	simm.s32 @p0 $0x1  }
0x13: {  	[smem:$0x3FAE] =	sst s0;
	s0 =	simm.s32 @!p1 $0x0  }
0x14: {  	s2 =	sld [smem:$0x3F92];
	s0 =	simm.s32 @p1 $0x1  }
0x15: {  	[smem:$0x3FAF] =	sst s0;
	s0 =	simm.s32 @!p2 $0x0  }
0x16: {  	s3 =	sld [smem:$0x3FDB];
	s0 =	simm.s32 @p2 $0x1  }
0x17: {  	s4 =	simm.s32 $0x1BF5;
	[smem:$0x3FB1] =	sst s0  }
0x18: {  	s0 =	sld [smem:$0x3F94];
	_ =	swait.ge [sflag:s4], $0x0  }
0x19: {  	s7 =	sld [smem:$0x3F95]  }
0x1a: {  	s8 =	sadd.s32 $0xFFFFE003, lr  }
0x1b: {  	s9 =	sadd.s32 $0xFFFFFEF7, lr;
	s5 =	simm.s32 $0xFFFFFFFF;
	p2 =	slt.u32 s8, $0xFFFFF086  }
0x1c: {  	p1 =	slt.u32 s9, $0xF7A;
	s5 =	simm.s32 @!p2 $0x0  }
0x1d: {  	s5 =	simm.s32 @p1 $0x1;
	p0 =	seq.s32 s7, s2  }
0x1e: {  	s7 =	smul.u32 @!p0 $0xF7A, s2;
	p2 =	seq.s32 @!p0 s5, $0x0  }
0x1f: {  	s9 =	smul.u32 $0xF7A, s1;
	s8 =	simm.s32 @!p0 $0x1BF5;
	p2 =	por !p2, p0  }
0x20: {  	[sflag:s8] =	ssyncset.s32 @!p0 $0xFFFFF086;
	s6 =	sadd.s32 @!p0 s3, s7;
	s7 =	simm.s32 @!p0 $0x108  }
0x21: {  	s3 =	sadd.s32 s3, s9;
	s6 =	sadd.s32 @!p0 $0x88, s6;
	s7 =	simm.s32 @p2 $0x1082  }
0x22: {  	[simem:s7], [sflag:s8] =	dma.local @!p0 [hbm:s6], $0xF7A  }
0x23: {  	s9 =	sor.u32 $0xD0000000, s2;
	s6 =	simm.s32 $0x108;
	_ =	swait.ge @!p0 [sflag:s8], $0x0  }
0x24: {  	s3 =	sadd.s32 $0x88, s3;
	s6 =	simm.s32 @!p1 $0x1082;
	[sflag:s4] =	ssyncset.s32 $0xFFFFF086  }
0x25: {  	[simem:s6], [sflag:s4] =	dma.local [hbm:s3], $0xF7A  }
0x26: {  	[smem:$0x3F95] =	sst s1;
	(tag) =	ssettag s2;
	_ =	strace s9  }
0x27: {  	s1 =	sld [smem:$0x3FA5]  }
0x28: {  	s2 =	sld [smem:$0x3FA6]  }
0x29: {  	s4 =	sld [smem:$0x3FA8]  }
0x2a: {  	p0 =	seq.s32 s5, $0x0;
	s5 =	sld [smem:$0x3FA9]  }
0x2b: {  	s6 =	sld [smem:$0x3FAA]  }
0x2c: {  	s7 =	sld [smem:$0x3FAB]  }
0x2d: {  	s3 =	simm.s32 $0x108;
	s8 =	sld [smem:$0x3FAC]  }
0x2e: {  	s3 =	simm.s32 @!p0 $0x1082;
	s9 =	sld [smem:$0x3FAD]  }
0x2f: {  	lr =	sadd.s32 s0, s3;
	s0 =	sld [smem:$0x3FA4]  }
0x30: {  	s3 =	sld [smem:$0x3FA7]  }
0x31: {  	[smem:$0x3FB0] =	sst s10  }
0x32: {  	s10 =	sld [smem:$0x3FAE];
	_ =	sdelay $0x3  }
0x33: {  	p0 =	seq.s32 s10, $0x1;
	s10 =	sld [smem:$0x3FB0];
	_ =	sdelay $0x3  }
0x34: {  	[smem:$0x3FB0] =	sst s10  }
0x35: {  	s10 =	sld [smem:$0x3FAF];
	_ =	sdelay $0x3  }
0x36: {  	p1 =	seq.s32 s10, $0x1;
	s10 =	sld [smem:$0x3FB0];
	_ =	sdelay $0x3  }
0x37: {  	[smem:$0x3FB0] =	sst s10  }
0x38: {  	s10 =	sld [smem:$0x3FB1]  }
0x39: {  	_ = 	snop;
	(pc) =	sbr.ind lr, $3  }
0x3a: {  	_ = 	snop  }
0x3b: {  	_ = 	snop  }
0x3c: {  	p2 =	seq.s32 s10, $0x1;
	s10 =	sld [smem:$0x3FB0]  }
0x3d: {  	_ =	shalt  }
0x3e: {  	_ =	shalt  }
0x3f: {  	_ =	shalt  }
0x40: {  	_ =	shalt  }
0x41: {  	_ =	shalt  }
0x42: {  	_ =	shalt  }
0x43: {  	_ =	shalt  }
0x44: {  	_ =	shalt  }
0x45: {  	_ =	shalt  }
0x46: {  	_ =	shalt  }
0x47: {  	_ =	shalt  }
0x48: {  	_ =	shalt  }
0x49: {  	_ =	shalt  }
0x4a: {  	_ =	shalt  }
0x4b: {  	_ =	shalt  }
0x4c: {  	_ =	shalt  }
0x4d: {  	_ =	shalt  }
0x4e: {  	_ =	shalt  }
0x4f: {  	_ =	shalt  }
0x50: {  	_ =	shalt  }
0x51: {  	_ =	shalt  }
0x52: {  	_ =	shalt  }
0x53: {  	_ =	shalt  }
0x54: {  	_ =	shalt  }
0x55: {  	_ =	shalt  }
0x56: {  	_ =	shalt  }
0x57: {  	_ =	shalt  }
0x58: {  	_ =	shalt  }
0x59: {  	_ =	shalt  }
0x5a: {  	_ =	shalt  }
0x5b: {  	_ =	shalt  }
0x5c: {  	_ =	shalt  }
0x5d: {  	_ =	shalt  }
0x5e: {  	_ =	shalt  }
0x5f: {  	_ =	shalt  }
0x60: {  	_ =	shalt  }
0x61: {  	_ =	shalt  }
0x62: {  	_ =	shalt  }
0x63: {  	_ =	shalt  }
0x64: {  	_ =	shalt  }
0x65: {  	_ =	shalt  }
0x66: {  	_ =	shalt  }
0x67: {  	_ =	shalt  }
0x68: {  	_ =	shalt  }
0x69: {  	_ =	shalt  }
0x6a: {  	_ =	shalt  }
0x6b: {  	_ =	shalt  }
0x6c: {  	_ =	shalt  }
0x6d: {  	_ =	shalt  }
0x6e: {  	_ =	shalt  }
0x6f: {  	_ =	shalt  }
0x70: {  	_ =	shalt  }
0x71: {  	_ =	shalt  }
0x72: {  	_ =	shalt  }
0x73: {  	_ =	shalt  }
0x74: {  	_ =	shalt  }
0x75: {  	_ =	shalt  }
0x76: {  	_ =	shalt  }
0x77: {  	_ =	shalt  }
0x78: {  	_ =	shalt  }
0x79: {  	_ =	shalt  }
0x7a: {  	_ =	shalt  }
0x7b: {  	_ =	shalt  }
0x7c: {  	_ =	shalt  }
0x7d: {  	_ =	shalt  }
0x7e: {  	_ =	shalt  }
0x7f: {  	_ =	shalt  }
0x80: {  	_ =	shalt  }
0x81: {  	_ =	shalt  }
0x82: {  	_ =	shalt  }
0x83: {  	_ =	shalt  }
0x84: {  	_ =	shalt  }
0x85: {  	_ =	shalt  }
0x86: {  	_ =	shalt  }
0x87: {  	_ =	shalt  }
.Lfunc_end0:
.L_simem_size_0:
called_computation_lowered:
.L_overlay_start_0:
0x88: {  	s2 =	sld [smem:$0x3FD9]  }
0x89: {  	s3 =	sld [smem:$0x3FFE];
	_ =	sdelay $0x1  }
0x8a: {  	s1 =	srdreg.scid  }
0x8b: {  	s0 =	sand.u32 $0x1, s1  }
0x8c: {  	s17 =	sshll.u32 s0, $0xA;
	s2 =	sadd.s32 s3, s2  }
0x8d: {  	s2 =	sadd.s32 s2, s17  }
0x8e: {  	[smem:$0x3FBC] =	sst s2  }
0x8f: {  	_ = 	snop  }
0x90: {  	s2 =	sld [smem:$0x3FD0];
	(tm) =	ssettm $0x1  }
0x91: {  	s18 =	sld [smem:$0x3FFB];
	_ =	sdelay $0x3  }
0x92: {  	_ =	strace s18  }
0x93: {  	s3 =	sld [smem:$0x3FFC];
	_ =	sdelay $0x3  }
0x94: {  	_ =	strace s3  }
0x95: {  	s3 =	sld [smem:$0x3FFD];
	_ =	sdelay $0x3  }
0x96: {  	_ =	strace s3  }
0x97: {  	_ =	strace $0x8FFFFFFF  }
0x98: {  	s19 =	sld [smem:$0x3FDB];
	_ =	sdelay $0x1  }
0x99: {  	s4 =	simm.s32 $_scs_section_size  }
0x9a: {  	s5 =	simm.s32 $_size__tile_overlayer_lowered;
	s6 =	simm.s32 $_tile_overlayer_lowered  }
0x9b: {  	s22 =	simm.s32 $0x1BFF;
	s21 =	sshll.u32 s6, $0x1;
	s3 =	sadd.s32 s4, s19  }
0x9c: {  	s7 =	simm.s32 $0x0;
	s20 =	sshll.u32 s5, $0x1;
	s5 =	sadd.s32 s21, s3  }
0x9d: {  	[timem:s7], [sflag:s22] =	dma.local [hbm:s5], s20  }
0x9e: {  	_ =	swait.ge [sflag:s22], s20  }
0x9f: {  	s4 =	ssub.s32 $0x0, s20;
	[sflag:s22] =	ssyncset.done $0x0  }
0xa0: {  	[sflag:s22] =	ssyncadd.s32 s4;
	_ =	sdelay $0x1  }
0xa1: {  	s23 =	simm.s32 $0x1B8B  }
0xa2: {  	_ =	swait.ge [sflag:s23], $0x1  }
0xa3: {  	[sflag:s23] =	ssyncset.done $0x0  }
0xa4: {  	s25 =	simm.s32 $0x1B8E;
	s24 =	sld [smem:$0x3FFE];
	[sflag:s23] =	ssyncadd.s32 $0xFFFFFFFF  }
0xa5: {  	s26 =	simm.s32 $execute0_lowered;
	[smem:$0x3FD2] =	sst s25  }
0xa6: {  	s5 =	sshll.u32 s26, $0x1;
	_ =	strace $0x80000046;
	[dreg:$0x1] =	wrdreg $0xFFFFFFFF  }
0xa7: {  	s28 =	simm.s32 $_size_execute0_lowered;
	s3 =	sadd.s32 s3, s5;
	[dreg:$0x0] =	wrdreg $0x0  }
0xa8: {  	s5 =	sshll.u32 s28, $0x1;
	[dreg:$0x2] =	wrdreg s3  }
0xa9: {  	[dreg:$0x3] =	wrdreg s5  }
0xaa: {  	[dreg:$0x4] =	wrdreg $0xC0  }
0xab: {  	_ =	task [dreg:s7], $0x5FFFF  }
0xac: {  	[dreg:$0x1] =	wrdreg $0xFFFFFFFF  }
0xad: {  	[dreg:$0x0] =	wrdreg $0x60  }
0xae: {  	[dreg:$0x2] =	wrdreg s24  }
0xaf: {  	[dreg:$0x3] =	wrdreg s2  }
0xb0: {  	[dreg:$0x4] =	wrdreg $0x8C000  }
0xb1: {  	[dreg:$0x5] =	wrdreg $0x12C000  }
0xb2: {  	[dreg:$0x6] =	wrdreg $0x9  }
0xb3: {  	_ =	task.clear_ibuf [dreg:s7], $0x7FFFF;
	_ =	strace $0x90000046  }
0xb4: {  	s29 =	simm.s32 $0x9;
	_ =	strace $0x8000004C  }
0xb5: {  	_ =	swait.ge [sflag:s29], $0x1  }
0xb6: {  	[sflag:s29] =	ssyncadd.s32 $0xFFFFFFFF  }
0xb7: {  	_ =	strace $0x9000004C  }
0xb8: {  	_ =	sfence  }
0xb9: {  	s30 =	sld [smem:$0x0];
	_ =	sdelay $0x2  }
0xba: {  	s31 =	sshll.u32 s1, $0xD;
	s1 =	sshrl.u32 s1, $0x2  }
0xbb: {  	s3 =	sand.u32 $0x4000, s31;
	s1 =	sadd.s32 s1, s30  }
0xbc: {  	s0 =	sor.u32 s3, s0;
	s1 =	sshll.u32 s1, $0x11  }
0xbd: {  	s0 =	sor.u32 s1, s0  }
0xbe: {  	s0 =	sadd.s32 $0x8F2B, s0  }
0xbf: {  	[sflag:s0] =	ssyncadd.remote.s32 $0x1  }
0xc0: {  	_ =	sfence.sel $0xFFFF  }
0xc1: {  	[dreg:$0x0] =	wrdreg $0xFFFFFFFF;
	(pc) =	sbr.abs _section_cstart, $3  }
0xc2: {  	[dreg:$0x1] =	wrdreg $0xFFFFFFFF  }
0xc3: {  	_ =	task.clear_ibuf [dreg:s7], $0x2FFFF;
	_ =	strace $0x9FFFFFFF  }
0xc4: {  	(tm) =	ssettm $0x7FFFFFFF  }
0xc5: {  	_ =	shalt  }
tec
execute0_lowered:
.L_overlay_start_1:
0x0: {  	(tag) =	ssettag $0x1  }
0x1: {  	s0 =	rddreg [dreg:$0x0]  }
0x2: {  	s1 =	srdreg.scid;
	s3 =	rddreg [dreg:$0x2]  }
0x3: {  	s4 =	rddreg [dreg:$0x3];
	s17 =	stileid.u32  }
0x4: {  	s5 =	simm.s32 $0x0;
	s1 =	sand.u32 $0x1, s1;
	s9 =	smul.u32 $0x14000, s17  }
0x5: {  	s7 =	smin.u32 s17, $0x2;
	[smem:$0x7FF] =	sst s5;
	s13 =	smul.u32 $0x2800, s17  }
0x6: {  	s19 =	sadd.s32 $0x1FE00, s0;
	s20 =	sadd.s32 $0x20000, s0;
	s25 =	smul.u32 $0x28000, s17  }
0x7: {  	p1 =	sgt.u32 s17, $0x1;
	s30 =	smul.u32 $0xA000, s17;
	s2 =	sshll.u32 s1, $0x4  }
0x8: {  	s8 =	smul.u32 $0x140000, s1;
	_ =	strace $0x80000047;
	[dreg:$0x5] =	wrdreg s19  }
0x9: {  	s6 =	ssub.s32 $0x0, s1;
	s11 =	smul.u32 $0x28000, s1;
	[dreg:$0x6] =	wrdreg s20  }
0xa: {  	s22 =	ssub.s32 $0x2, s1;
	p0 =	seq.s32 s1, $0x0;
	s1 =	smul.u32 $0x270, s1  }
0xb: {  	s2 =	sor.u32 s17, s2;
	s7 =	sand.u32 s7, s6;
	s6 =	sadd.s32 $0xC400, s0  }
0xc: {  	s15 =	sshrl.u32 s22, $0x1;
	p0 =	por p0, p1;
	s16 =	sshrl.u32 s25, $0x2  }
0xd: {  	s18 =	sshrl.u32 s30, $0x2;
	s2 =	smul.u32 $0x27, s2;
	s8 =	sadd.s32 s9, s8  }
0xe: {  	s21 =	sadd.s32 s13, s11;
	s23 =	ssub.s32 s22, s15;
	s29 =	sadd.s32 s16, s3  }
0xf: {  	s16 =	sadd.s32 s18, s4;
	s1 =	sor.u32 s1, s7;
	s9 =	sshrl.u32 s21, $0x3  }
0x10: {  	s2 =	sadd.s32 s7, s2;
	s11 =	sadd.s32 s9, s0;
	s9 =	simm.s32 $0x13  }
0x11: {  	s8 =	sshrl.u32 s8, $0x4;
	s10 =	smin.u32 s2, $0x4A2;
	s9 =	simm.s32 @!p0 $0x14  }
0x12: {  	s11 =	sadd.s32 $0x48200, s11;
	s12 =	sshll.u32 s10, $0x4;
	s2 =	ssub.s32 s2, s10  }
0x13: {  	s14 =	sadd.s32 s12, s0;
	s12 =	sadd.s32 s8, s0;
	s0 =	smax.u32 s23, $0x1  }
0x14: {  	s8 =	smul.u32 $0x280, s17;
	s24 =	sadd.s32 $0x7400, s14;
	[dreg:$0xa] =	wrdreg s0  }
0x15: {  	s2 =	sshll.u32 s2, $0x7;
	s26 =	sadd.s32 $0x2400, s14;
	[dreg:$0x7] =	wrdreg s24  }
0x16: {  	s23 =	smul.u32 $0x27, s17;
	s15 =	sadd.s32 $0x1300, s2;
	[dreg:$0x8] =	wrdreg s26  }
0x17: {  	s13 =	sadd.s32 $0x3300, s2;
	s12 =	sadd.s32 $0x20200, s12;
	[dreg:$0x9] =	wrdreg s15  }
0x18: {  	s19 =	sor.u32 $0x40, s8;
	s21 =	sadd.s32 $0x80, s8;
	s7 =	sadd.s32 s23, s1  }
0x19: {  	s26 =	sadd.s32 $0xC0, s8;
	s14 =	sadd.s32 $0x140, s8;
	s18 =	sadd.s32 $0x180, s8  }
0x1a: {  	s23 =	sadd.s32 $0x200, s8;
	s20 =	sshll.u32 s19, $0x6;
	s0 =	sshll.u32 s19, $0x4  }
0x1b: {  	s22 =	sshll.u32 s21, $0x6;
	s25 =	sshll.u32 s21, $0x4;
	s30 =	sshll.u32 s26, $0x6  }
0x1c: {  	s1 =	sshll.u32 s26, $0x4;
	s15 =	sshll.u32 s14, $0x6;
	s17 =	sshll.u32 s14, $0x4  }
0x1d: {  	s19 =	sshll.u32 s18, $0x6;
	s21 =	sadd.s32 $0x1C0, s8;
	s2 =	sadd.s32 s20, s3  }
0x1e: {  	s7 =	smax.u32 s7, $0x4A2;
	s0 =	sadd.s32 s0, s4;
	[dreg:$0xb] =	wrdreg s2  }
0x1f: {  	s14 =	simm.s32 $0x4000;
	s24 =	sadd.s32 s22, s3;
	[dreg:$0xc] =	wrdreg s0  }
0x20: {  	s1 =	sadd.s32 s1, s4;
	s22 =	sshll.u32 s21, $0x6;
	[dreg:$0xd] =	wrdreg s24  }
0x21: {  	s0 =	sadd.s32 s25, s4;
	[dreg:$0x10] =	wrdreg s1;
	s2 =	sadd.s32 $0x100, s8  }
0x22: {  	s24 =	sshll.u32 s23, $0x6;
	s25 =	sshll.u32 s23, $0x4;
	s8 =	sadd.s32 $0x240, s8  }
0x23: {  	s23 =	simm.s32 $0x2;
	[dreg:$0xe] =	wrdreg s0;
	s0 =	sadd.s32 s30, s3  }
0x24: {  	s10 =	sshll.u32 s2, $0x6;
	s26 =	sshll.u32 s8, $0x6;
	s8 =	sshll.u32 s8, $0x4  }
0x25: {  	s30 =	sshll.u32 s7, $0x7;
	[dreg:$0xf] =	wrdreg s0;
	s0 =	sshll.u32 s2, $0x4  }
0x26: {  	s1 =	sadd.s32 s10, s3;
	s2 =	sadd.s32 s25, s4;
	s7 =	sadd.s32 s8, s4  }
0x27: {  	s28 =	sadd.s32 $0xFFFDAF00, s30;
	[dreg:$0x11] =	wrdreg s1;
	s0 =	sadd.s32 s0, s4  }
0x28: {  	s1 =	sshll.u32 s18, $0x4;
	[dreg:$0x12] =	wrdreg s0;
	s0 =	sadd.s32 s15, s3  }
0x29: {  	s18 =	simm.s32 $0x8800;
	s20 =	sadd.s32 s1, s4;
	[dreg:$0x13] =	wrdreg s0  }
0x2a: {  	s1 =	sadd.s32 s22, s3;
	s22 =	simm.s32 $0x1;
	[dreg:$0x16] =	wrdreg s20  }
0x2b: {  	s0 =	sadd.s32 s17, s4;
	[dreg:$0x17] =	wrdreg s1;
	s1 =	sadd.s32 s24, s3  }
0x2c: {  	s17 =	simm.s32 $0x3;
	s20 =	simm.s32 $0x80;
	s24 =	simm.s32 $0x0  }
0x2d: {  	[dreg:$0x14] =	wrdreg s0;
	s0 =	sadd.s32 s19, s3;
	s19 =	simm.s32 $0x8000  }
0x2e: {  	[dreg:$0x15] =	wrdreg s0;
	s0 =	sshll.u32 s21, $0x4;
	s21 =	simm.s32 $0x6000  }
0x2f: {  	s31 =	sadd.s32 s0, s4;
	s0 =	sadd.s32 s26, s3;
	s26 =	sadd.s32 $0xFFFDCF00, s30  }
.LBB2_1:
0x30: {  	_ =	strace $0x80000048  }
0x31: {  	s8 =	rddreg [dreg:$0x1]  }
0x32: {  	[tilespmem:s14], [sflag:$0x3] =	stream.linear.gather [hbm4b:s8+s5], $0x2000, $0x200038;
	[tilespmem:$0x15400] =	vst v63  }
0x33: {  	_ =	swait.ge [sflag:s17], $0x2000  }
0x34: {  	[sflag:s17] =	ssyncset.done $0x0  }
0x35: {  	s15 =	rddreg [dreg:$0x5];
	[sflag:s17] =	ssyncadd.s32 $0xFFFFE000  }
0x36: {  	[tilespmem:s18], [sflag:$0x3] =	stream.linear.gather [hbm4b:s15+s5], $0x400, $0x200038;
	[tilespmem:$0x15400] =	vst v63  }
0x37: {  	_ =	swait.ge [sflag:s17], $0x400  }
0x38: {  	[sflag:s17] =	ssyncset.done $0x0  }
0x39: {  	s25 =	rddreg [dreg:$0x6];
	[sflag:s17] =	ssyncadd.s32 $0xFFFFFC00  }
0x3a: {  	[tilespmem:s19], [sflag:$0x3] =	stream.linear.gather [hbm4b:s25+s5], $0x800, $0x200038;
	[tilespmem:$0x15400] =	vst v63  }
0x3b: {  	_ =	swait.ge [sflag:s17], $0x800  }
0x3c: {  	[sflag:s17] =	ssyncset.done $0x0  }
0x3d: {  	[sflag:s17] =	ssyncadd.s32 $0xFFFFF800  }
0x3e: {  	[spmem:s29] =	stream.linear.scatter [tilespmem:s14], [sflag:$0x3], $0x1000, $0x200038;
	[tilespmem:$0x15400] =	vst v63  }
0x3f: {  	_ =	swait.ge [sflag:s17], $0x1000  }
0x40: {  	[sflag:s17] =	ssyncset.done $0x0  }
0x41: {  	[sflag:s17] =	ssyncadd.s32 $0xFFFFF000  }
0x42: {  	[spmem:s16] =	stream.linear.scatter [tilespmem:s18], [sflag:$0x3], $0x400, $0x200038;
	[tilespmem:$0x15400] =	vst v63  }
0x43: {  	_ =	swait.ge [sflag:s17], $0x400  }
0x44: {  	[sflag:s17] =	ssyncset.done $0x0  }
0x45: {  	s30 =	rddreg [dreg:$0xb];
	[sflag:s17] =	ssyncadd.s32 $0xFFFFFC00  }
0x46: {  	[spmem:s30] =	stream.linear.scatter [tilespmem:s14], [sflag:$0x3], $0x1000, $0x200038;
	[tilespmem:$0x15400] =	vst v63  }
0x47: {  	_ =	swait.ge [sflag:s17], $0x1000  }
0x48: {  	[sflag:s17] =	ssyncset.done $0x0  }
0x49: {  	s10 =	rddreg [dreg:$0xc];
	[sflag:s17] =	ssyncadd.s32 $0xFFFFF000  }
0x4a: {  	[spmem:s10] =	stream.linear.scatter [tilespmem:s18], [sflag:$0x3], $0x400, $0x200038;
	[tilespmem:$0x15400] =	vst v63  }
0x4b: {  	_ =	swait.ge [sflag:s17], $0x400  }
0x4c: {  	[sflag:s17] =	ssyncset.done $0x0  }
0x4d: {  	s15 =	rddreg [dreg:$0xd];
	[sflag:s17] =	ssyncadd.s32 $0xFFFFFC00  }
0x4e: {  	[spmem:s15] =	stream.linear.scatter [tilespmem:s14], [sflag:$0x3], $0x1000, $0x200038;
	[tilespmem:$0x15400] =	vst v63  }
0x4f: {  	_ =	swait.ge [sflag:s17], $0x1000  }
0x50: {  	[sflag:s17] =	ssyncset.done $0x0  }
0x51: {  	s25 =	rddreg [dreg:$0xe];
	[sflag:s17] =	ssyncadd.s32 $0xFFFFF000  }
0x52: {  	[spmem:s25] =	stream.linear.scatter [tilespmem:s18], [sflag:$0x3], $0x400, $0x200038;
	[tilespmem:$0x15400] =	vst v63  }
0x53: {  	_ =	swait.ge [sflag:s17], $0x400  }
0x54: {  	[sflag:s17] =	ssyncset.done $0x0  }
0x55: {  	s30 =	rddreg [dreg:$0xf];
	[sflag:s17] =	ssyncadd.s32 $0xFFFFFC00  }
0x56: {  	[spmem:s30] =	stream.linear.scatter [tilespmem:s14], [sflag:$0x3], $0x1000, $0x200038;
	[tilespmem:$0x15400] =	vst v63  }
0x57: {  	_ =	swait.ge [sflag:s17], $0x1000  }
0x58: {  	[sflag:s17] =	ssyncset.done $0x0  }
0x59: {  	s10 =	rddreg [dreg:$0x10];
	[sflag:s17] =	ssyncadd.s32 $0xFFFFF000  }
0x5a: {  	[spmem:s10] =	stream.linear.scatter [tilespmem:s18], [sflag:$0x3], $0x400, $0x200038;
	[tilespmem:$0x15400] =	vst v63  }
0x5b: {  	_ =	swait.ge [sflag:s17], $0x400  }
0x5c: {  	[sflag:s17] =	ssyncset.done $0x0  }
0x5d: {  	s15 =	rddreg [dreg:$0x11];
	[sflag:s17] =	ssyncadd.s32 $0xFFFFFC00  }
0x5e: {  	[spmem:s15] =	stream.linear.scatter [tilespmem:s14], [sflag:$0x3], $0x1000, $0x200038;
	[tilespmem:$0x15400] =	vst v63  }
0x5f: {  	_ =	swait.ge [sflag:s17], $0x1000  }
0x60: {  	[sflag:s17] =	ssyncset.done $0x0  }
0x61: {  	s25 =	rddreg [dreg:$0x12];
	[sflag:s17] =	ssyncadd.s32 $0xFFFFF000  }
0x62: {  	[spmem:s25] =	stream.linear.scatter [tilespmem:s18], [sflag:$0x3], $0x400, $0x200038;
	[tilespmem:$0x15400] =	vst v63  }
0x63: {  	_ =	swait.ge [sflag:s17], $0x400  }
0x64: {  	[sflag:s17] =	ssyncset.done $0x0  }
0x65: {  	s30 =	rddreg [dreg:$0x13];
	[sflag:s17] =	ssyncadd.s32 $0xFFFFFC00  }
0x66: {  	[spmem:s30] =	stream.linear.scatter [tilespmem:s14], [sflag:$0x3], $0x1000, $0x200038;
	[tilespmem:$0x15400] =	vst v63  }
0x67: {  	_ =	swait.ge [sflag:s17], $0x1000  }
0x68: {  	[sflag:s17] =	ssyncset.done $0x0  }
0x69: {  	s10 =	rddreg [dreg:$0x14];
	[sflag:s17] =	ssyncadd.s32 $0xFFFFF000  }
0x6a: {  	[spmem:s10] =	stream.linear.scatter [tilespmem:s18], [sflag:$0x3], $0x400, $0x200038;
	[tilespmem:$0x15400] =	vst v63  }
0x6b: {  	_ =	swait.ge [sflag:s17], $0x400  }
0x6c: {  	[sflag:s17] =	ssyncset.done $0x0  }
0x6d: {  	s15 =	rddreg [dreg:$0x15];
	[sflag:s17] =	ssyncadd.s32 $0xFFFFFC00  }
0x6e: {  	[spmem:s15] =	stream.linear.scatter [tilespmem:s14], [sflag:$0x3], $0x1000, $0x200038;
	[tilespmem:$0x15400] =	vst v63  }
0x6f: {  	_ =	swait.ge [sflag:s17], $0x1000  }
0x70: {  	[sflag:s17] =	ssyncset.done $0x0  }
0x71: {  	s25 =	rddreg [dreg:$0x16];
	[sflag:s17] =	ssyncadd.s32 $0xFFFFF000  }
0x72: {  	[spmem:s25] =	stream.linear.scatter [tilespmem:s18], [sflag:$0x3], $0x400, $0x200038;
	[tilespmem:$0x15400] =	vst v63  }
0x73: {  	_ =	swait.ge [sflag:s17], $0x400  }
0x74: {  	[sflag:s17] =	ssyncset.done $0x0  }
0x75: {  	s30 =	rddreg [dreg:$0x17];
	[sflag:s17] =	ssyncadd.s32 $0xFFFFFC00  }
0x76: {  	[spmem:s30] =	stream.linear.scatter [tilespmem:s14], [sflag:$0x3], $0x1000, $0x200038;
	[tilespmem:$0x15400] =	vst v63  }
0x77: {  	_ =	swait.ge [sflag:s17], $0x1000  }
0x78: {  	[sflag:s17] =	ssyncset.done $0x0  }
0x79: {  	[sflag:s17] =	ssyncadd.s32 $0xFFFFF000  }
0x7a: {  	[spmem:s31] =	stream.linear.scatter [tilespmem:s18], [sflag:$0x3], $0x400, $0x200038;
	[tilespmem:$0x15400] =	vst v63  }
0x7b: {  	_ =	swait.ge [sflag:s17], $0x400  }
0x7c: {  	[sflag:s17] =	ssyncset.done $0x0  }
0x7d: {  	[sflag:s17] =	ssyncadd.s32 $0xFFFFFC00  }
0x7e: {  	[spmem:s1] =	stream.linear.scatter [tilespmem:s14], [sflag:$0x3], $0x1000, $0x200038;
	[tilespmem:$0x15400] =	vst v63  }
0x7f: {  	_ =	swait.ge [sflag:s17], $0x1000  }
0x80: {  	[sflag:s17] =	ssyncset.done $0x0  }
0x81: {  	[sflag:s17] =	ssyncadd.s32 $0xFFFFF000  }
0x82: {  	[spmem:s2] =	stream.linear.scatter [tilespmem:s18], [sflag:$0x3], $0x400, $0x200038;
	[tilespmem:$0x15400] =	vst v63  }
0x83: {  	_ =	swait.ge [sflag:s17], $0x400  }
0x84: {  	[sflag:s17] =	ssyncset.done $0x0  }
0x85: {  	[sflag:s17] =	ssyncadd.s32 $0xFFFFFC00  }
0x86: {  	[spmem:s0] =	stream.linear.scatter [tilespmem:s14], [sflag:$0x3], $0x1000, $0x200038;
	[tilespmem:$0x15400] =	vst v63  }
0x87: {  	_ =	swait.ge [sflag:s17], $0x1000  }
0x88: {  	[sflag:s17] =	ssyncset.done $0x0  }
0x89: {  	[sflag:s17] =	ssyncadd.s32 $0xFFFFF000  }
0x8a: {  	[spmem:s7] =	stream.linear.scatter [tilespmem:s18], [sflag:$0x3], $0x400, $0x200038;
	[tilespmem:$0x15400] =	vst v63  }
0x8b: {  	_ =	swait.ge [sflag:s17], $0x400  }
0x8c: {  	[sflag:s17] =	ssyncset.done $0x0  }
0x8d: {  	[sflag:s17] =	ssyncadd.s32 $0xFFFFFC00  }
0x8e: {  	_ =	strace $0x90000048  }
0x8f: {  	_ =	strace $0x80000049  }
0x90: {  	s10 =	rddreg [dreg:$0x7]  }
0x91: {  	[tilespmem:s5], [sflag:$0x3] =	stream.linear.gather [hbm4b:s10+s5], $0x2000, $0x200038;
	[tilespmem:$0x15400] =	vst v63  }
0x92: {  	_ =	swait.ge [sflag:s17], $0x2000  }
0x93: {  	[sflag:s17] =	ssyncset.done $0x0  }
0x94: {  	s10 =	simm.s32 $0x2000;
	s15 =	rddreg [dreg:$0x8];
	[sflag:s17] =	ssyncadd.s32 $0xFFFFE000  }
0x95: {  	[tilespmem:s10], [sflag:$0x3] =	stream.linear.gather [hbm4b:s15+s5], $0x2000, $0x200038;
	[tilespmem:$0x15400] =	vst v63  }
0x96: {  	_ =	swait.ge [sflag:s17], $0x2000  }
0x97: {  	[sflag:s17] =	ssyncset.done $0x0  }
0x98: {  	[sflag:s17] =	ssyncadd.s32 $0xFFFFE000  }
0x99: {  	[bflag:$0x0] =	sbarrier.arrive $0xFFFF  }
0x9a: {  	_ =	strace $0x90000049  }
0x9b: {  	_ =	strace $0x8000004A  }
0x9c: {  	[tilespmem:s14], [sflag:$0x1] =	stream.indirect.gather [hbm4b:s6+s20], $0x40, s28, s20, $0x2000b8;
	[tilespmem:$0x15400] =	vst v63  }
0x9d: {  	s25 =	sadd.s32 $0x80, s28  }
0x9e: {  	[tilespmem:s21], [sflag:$0x2] =	stream.indirect.gather [hbm4b:s6+s20], $0x40, s25, s20, $0x2000b8;
	[tilespmem:$0x15400] =	vst v63  }
0x9f: {  	_ = 	snop  }
0xa0: {  	[spmem:s4] =	stream.indirect.scatter.add.f32 [tilespmem:s19], [sflag:$0x3], $0x10, s26, s20, $0x2000b8;
	[tilespmem:$0x15400] =	vst v63  }
0xa1: {  	_ =	swait.ge [sflag:s17], $0x800  }
0xa2: {  	[sflag:s17] =	ssyncset.done $0x0  }
0xa3: {  	[sflag:s17] =	ssyncadd.s32 $0xFFFFF800  }
0xa4: {  	_ =	swait.ge [sflag:s22], $0x2000  }
0xa5: {  	[sflag:s22] =	ssyncset.done $0x0  }
0xa6: {  	[sflag:s22] =	ssyncadd.s32 $0xFFFFE000  }
0xa7: {  	[spmem:s3] =	stream.indirect.scatter.add.bf16 [tilespmem:s14], [sflag:$0x3], $0x40, s26, s20, $0x2000b8;
	[tilespmem:$0x15400] =	vst v63  }
0xa8: {  	_ =	swait.ge [sflag:s17], $0x2000  }
0xa9: {  	[sflag:s17] =	ssyncset.done $0x0  }
0xaa: {  	s30 =	sadd.s32 $0x80, s26;
	[sflag:s17] =	ssyncadd.s32 $0xFFFFE000  }
0xab: {  	[spmem:s4] =	stream.indirect.scatter.add.f32 [tilespmem:s19], [sflag:$0x3], $0x10, s30, s20, $0x2000b8;
	[tilespmem:$0x15400] =	vst v63  }
0xac: {  	_ =	swait.ge [sflag:s17], $0x800  }
0xad: {  	[sflag:s17] =	ssyncset.done $0x0  }
0xae: {  	[sflag:s17] =	ssyncadd.s32 $0xFFFFF800  }
0xaf: {  	p1 =	sne.s32 s9, $0x1;
	_ =	swait.ge [sflag:s23], $0x2000  }
.Ltmp0:
0xb0: {  	[sflag:s23] =	ssyncset.done $0x0;
	(pc) =	sbr.rel @!p1 .LBB2_3-.Ltmp0, $4  }
0xb1: {  	[sflag:s23] =	ssyncadd.s32 $0xFFFFE000  }
0xb2: {  	[spmem:s3] =	stream.indirect.scatter.add.bf16 [tilespmem:s21], [sflag:$0x3], $0x40, s30, s20, $0x2000b8;
	[tilespmem:$0x15400] =	vst v63  }
0xb3: {  	s8 =	smov.u32 s28;
	_ =	swait.ge [sflag:s17], $0x2000  }
0xb4: {  	s10 =	smov.u32 s26;
	s25 =	sadd.s32 $0xFFFFFFFF, s9;
	[sflag:s17] =	ssyncset.done $0x0  }
.LBB2_2:
0xb5: {  	[sflag:s17] =	ssyncadd.s32 $0xFFFFE000;
	s10 =	sadd.s32 $0x100, s10;
	s8 =	sadd.s32 $0x100, s8  }
0xb6: {  	[tilespmem:s14], [sflag:$0x1] =	stream.indirect.gather [hbm4b:s6+s20], $0x40, s8, s20, $0x2000b8;
	[tilespmem:$0x15400] =	vst v63  }
0xb7: {  	p1 =	sne.s32 s25, $0x1;
	s25 =	sadd.s32 $0xFFFFFFFF, s25;
	s15 =	sadd.s32 $0x80, s8  }
0xb8: {  	[tilespmem:s21], [sflag:$0x2] =	stream.indirect.gather [hbm4b:s6+s20], $0x40, s15, s20, $0x2000b8;
	[tilespmem:$0x15400] =	vst v63  }
0xb9: {  	_ = 	snop  }
0xba: {  	[spmem:s4] =	stream.indirect.scatter.add.f32 [tilespmem:s19], [sflag:$0x3], $0x10, s10, s20, $0x2000b8;
	[tilespmem:$0x15400] =	vst v63  }
0xbb: {  	_ =	swait.ge [sflag:s17], $0x800  }
0xbc: {  	[sflag:s17] =	ssyncset.done $0x0  }
0xbd: {  	[sflag:s17] =	ssyncadd.s32 $0xFFFFF800  }
0xbe: {  	_ =	swait.ge [sflag:s22], $0x2000  }
0xbf: {  	[sflag:s22] =	ssyncset.done $0x0  }
0xc0: {  	[sflag:s22] =	ssyncadd.s32 $0xFFFFE000  }
0xc1: {  	[spmem:s3] =	stream.indirect.scatter.add.bf16 [tilespmem:s14], [sflag:$0x3], $0x40, s10, s20, $0x2000b8;
	[tilespmem:$0x15400] =	vst v63  }
0xc2: {  	_ =	swait.ge [sflag:s17], $0x2000  }
0xc3: {  	[sflag:s17] =	ssyncset.done $0x0  }
0xc4: {  	s15 =	sadd.s32 $0x80, s10;
	[sflag:s17] =	ssyncadd.s32 $0xFFFFE000  }
0xc5: {  	[spmem:s4] =	stream.indirect.scatter.add.f32 [tilespmem:s19], [sflag:$0x3], $0x10, s15, s20, $0x2000b8;
	[tilespmem:$0x15400] =	vst v63  }
0xc6: {  	_ =	swait.ge [sflag:s17], $0x800  }
0xc7: {  	[sflag:s17] =	ssyncset.done $0x0  }
0xc8: {  	[sflag:s17] =	ssyncadd.s32 $0xFFFFF800  }
0xc9: {  	_ =	swait.ge [sflag:s23], $0x2000  }
.Ltmp1:
0xca: {  	[sflag:s23] =	ssyncset.done $0x0;
	(pc) =	sbr.rel @p1 .LBB2_2-.Ltmp1, $4  }
0xcb: {  	[sflag:s23] =	ssyncadd.s32 $0xFFFFE000  }
0xcc: {  	[spmem:s3] =	stream.indirect.scatter.add.bf16 [tilespmem:s21], [sflag:$0x3], $0x40, s15, s20, $0x2000b8;
	[tilespmem:$0x15400] =	vst v63  }
0xcd: {  	_ =	swait.ge [sflag:s17], $0x2000  }
0xce: {  	[sflag:s17] =	ssyncset.done $0x0  }
.LBB2_3:
0xcf: {  	[sflag:s17] =	ssyncadd.s32 $0xFFFFE000  }
0xd0: {  	s8 =	simm.s32 @p0 $0x80;
	s10 =	simm.s32 @p0 $0x4000;
	s15 =	rddreg [dreg:$0x9]  }
0xd1: {  	[tilespmem:s10], [sflag:$0x1] =	stream.indirect.gather @p0 [hbm4b:s6+s8], $0x40, s15, s8, $0x2000b8;
	[tilespmem:$0x15400] =	vst v63  }
0xd2: {  	s15 =	simm.s32 @p0 $0x1  }
0xd3: {  	_ =	swait.ge @p0 [sflag:s15], $0x2000  }
0xd4: {  	[sflag:s15] =	ssyncset.done @p0 $0x0  }
0xd5: {  	[sflag:s15] =	ssyncadd.s32 @p0 $0xFFFFE000;
	s15 =	simm.s32 @p0 $0x8000  }
0xd6: {  	[spmem:s4] =	stream.indirect.scatter.add.f32 @p0 [tilespmem:s15], [sflag:$0x3], $0x10, s13, s8, $0x2000b8;
	[tilespmem:$0x15400] =	vst v63  }
0xd7: {  	s15 =	simm.s32 @p0 $0x3  }
0xd8: {  	_ =	swait.ge @p0 [sflag:s15], $0x800  }
0xd9: {  	[sflag:s15] =	ssyncset.done @p0 $0x0  }
0xda: {  	[sflag:s15] =	ssyncadd.s32 @p0 $0xFFFFF800  }
0xdb: {  	[spmem:s3] =	stream.indirect.scatter.add.bf16 @p0 [tilespmem:s10], [sflag:$0x3], $0x40, s13, s8, $0x2000b8;
	[tilespmem:$0x15400] =	vst v63  }
0xdc: {  	_ =	swait.ge @p0 [sflag:s15], $0x2000  }
0xdd: {  	[sflag:s15] =	ssyncset.done @p0 $0x0  }
0xde: {  	[sflag:s15] =	ssyncadd.s32 @p0 $0xFFFFE000  }
0xdf: {  	[bflag:$0x0] =	sbarrier.arrive $0xFFFF  }
0xe0: {  	_ =	strace $0x9000004A  }
0xe1: {  	_ =	strace $0x8000004B  }
0xe2: {  	[tilespmem:s14], [sflag:$0x3] =	stream.linear.gather [spmem:s29], $0x1000, $0x200038;
	[tilespmem:$0x15400] =	vst v63  }
0xe3: {  	_ =	swait.ge [sflag:s17], $0x1000  }
0xe4: {  	[sflag:s17] =	ssyncset.done $0x0  }
0xe5: {  	[sflag:s17] =	ssyncadd.s32 $0xFFFFF000  }
0xe6: {  	[hbm4b:s12+s5] =	stream.linear.scatter [tilespmem:s14], [sflag:$0x3], $0x1000, $0x200038;
	[tilespmem:$0x15400] =	vst v63  }
0xe7: {  	_ =	swait.ge [sflag:s17], $0x1000  }
0xe8: {  	[sflag:s17] =	ssyncset.done $0x0  }
0xe9: {  	[sflag:s17] =	ssyncadd.s32 $0xFFFFF000  }
0xea: {  	[tilespmem:s18], [sflag:$0x3] =	stream.linear.gather [spmem:s16], $0x400, $0x200038;
	[tilespmem:$0x15400] =	vst v63  }
0xeb: {  	_ =	swait.ge [sflag:s17], $0x400  }
0xec: {  	[sflag:s17] =	ssyncset.done $0x0  }
0xed: {  	s30 =	sadd.s32 $0x0, s11;
	[sflag:s17] =	ssyncadd.s32 $0xFFFFFC00  }
0xee: {  	[hbm4b:s30+s5] =	stream.linear.scatter [tilespmem:s18], [sflag:$0x3], $0x400, $0x200038;
	[tilespmem:$0x15400] =	vst v63  }
0xef: {  	s25 =	smov.u32 s16;
	s8 =	simm.s32 $0x80;
	_ =	swait.ge [sflag:s17], $0x400  }
0xf0: {  	s10 =	sadd.s32 $0x200, s12;
	s15 =	smov.u32 s29;
	[sflag:s17] =	ssyncset.done $0x0  }
.LBB2_4:
0xf1: {  	[sflag:s17] =	ssyncadd.s32 $0xFFFFFC00  }
0xf2: {  	s25 =	sadd.s32 $0x400, s25;
	s15 =	sadd.s32 $0x1000, s15;
	s30 =	smov.u32 s8  }
0xf3: {  	[tilespmem:s14], [sflag:$0x3] =	stream.linear.gather [spmem:s15], $0x1000, $0x200038;
	[tilespmem:$0x15400] =	vst v63  }
0xf4: {  	p1 =	sne.s32 s8, $0x480;
	s8 =	sadd.s32 $0x80, s8;
	_ =	swait.ge [sflag:s17], $0x1000  }
0xf5: {  	[sflag:s17] =	ssyncset.done $0x0  }
0xf6: {  	[sflag:s17] =	ssyncadd.s32 $0xFFFFF000  }
0xf7: {  	[hbm4b:s10+s5] =	stream.linear.scatter [tilespmem:s14], [sflag:$0x3], $0x1000, $0x200038;
	[tilespmem:$0x15400] =	vst v63  }
0xf8: {  	_ =	swait.ge [sflag:s17], $0x1000  }
0xf9: {  	[sflag:s17] =	ssyncset.done $0x0  }
0xfa: {  	[sflag:s17] =	ssyncadd.s32 $0xFFFFF000  }
0xfb: {  	[tilespmem:s18], [sflag:$0x3] =	stream.linear.gather [spmem:s25], $0x400, $0x200038;
	[tilespmem:$0x15400] =	vst v63  }
0xfc: {  	_ =	swait.ge [sflag:s17], $0x400  }
.Ltmp2:
0xfd: {  	[sflag:s17] =	ssyncset.done $0x0;
	(pc) =	sbr.rel @p1 .LBB2_4-.Ltmp2, $4  }
0xfe: {  	s30 =	sadd.s32 s30, s11;
	[sflag:s17] =	ssyncadd.s32 $0xFFFFFC00  }
0xff: {  	[hbm4b:s30+s5] =	stream.linear.scatter [tilespmem:s18], [sflag:$0x3], $0x400, $0x200038;
	[tilespmem:$0x15400] =	vst v63  }
0x100: {  	_ =	swait.ge [sflag:s17], $0x400  }
0x101: {  	s10 =	sadd.s32 $0x200, s10;
	[sflag:s17] =	ssyncset.done $0x0  }
0x102: {  	s24 =	sadd.s32 $0x1, s24;
	s8 =	rddreg [dreg:$0xa]  }
0x103: {  	p1 =	sne.s32 s24, s8  }
.Ltmp3:
0x104: {  	_ = 	snop;
	(pc) =	sbr.rel @p1 .LBB2_1-.Ltmp3, $3  }
0x105: {  	_ =	sdelay $0x1  }
0x106: {  	[sflag:s17] =	ssyncadd.s32 $0xFFFFFC00  }
0x107: {  	_ =	strace $0x9000004B  }
0x108: {  	_ =	sfence.sel $0x180000  }
0x109: {  	[bflag:$0x0] =	sbarrier.arrive $0xFFFF  }
0x10a: {  	_ =	strace $0x90000047  }
0x10b: {  	s0 =	stileid.u32;
	[bflag:$0x2] =	sbarrier.arrive $0xFFFF  }
0x10c: {  	p0 =	sne.s32 s0, $0x0;
	s0 =	rddreg [dreg:$0x4]  }
0x10d: {  	s0 =	sadd.s32 @!p0 $0x100000, s0  }
0x10e: {  	[sflag:s0] =	ssyncadd.tile.s32 @!p0 $0x1;
	_ =	shalt  }
.Lfunc_end2:
_tile_overlayer_lowered:
.L_overlay_start_2:
0x10f: {  	(tag) =	ssettag $0x2  }
0x110: {  	s0 =	rddreg [dreg:$0x0];
	s2 =	stileid.u32  }
0x111: {  	s1 =	rddreg [dreg:$0x1];
	p0 =	sne.s32 s2, $0x0  }
0x112: {  	s3 =	rddreg [dreg:$0x2];
	[bflag:$0x3] =	sbarrier.arrive $0xFFFF;
	s2 =	simm.s32 @!p0 $0x1C03  }
0x113: {  	[timem:s3], [sflag:s2] =	dma.local @!p0 [hbm:s0], s1  }
0x114: {  	s0 =	simm.s32 @!p0 $0x3  }
0x115: {  	_ =	swait.ge @!p0 [sflag:s0], s1  }
0x116: {  	s1 =	ssub.s32 @!p0 $0x0, s1;
	[sflag:s0] =	ssyncset.done @!p0 $0x0  }
0x117: {  	[sflag:s0] =	ssyncadd.s32 @!p0 s1  }
0x118: {  	[bflag:$0x3] =	sbarrier.arrive $0xFFFF  }
0x119: {  	_ =	shalt  }

// kernel: kernel.9.cloned.1.call-start
scs
__scs_entry_jumppad:
0x0: {  	(pc) =	sbr.rel $0x88, $3  }
0x1: {  	(tag) =	ssettag $0x0;
	lr =	simm.s32 $0x1  }
0x2: {  	[smem:$0x3F95] =	sst lr;
	_ =	strace $0xD0000000  }
0x3: {  	_ = 	snop  }
0x4: {  	_ = 	snop  }
0x5: {  	_ = 	snop  }
0x6: {  	_ = 	snop  }
0x7: {  	_ = 	snop  }
__scs_overlays_trampoline_lowered:
0x8: {  	[smem:$0x3FA4] =	sst s0  }
0x9: {  	[smem:$0x3FA5] =	sst s1  }
0xa: {  	[smem:$0x3FA6] =	sst s2  }
0xb: {  	[smem:$0x3FA7] =	sst s3  }
0xc: {  	[smem:$0x3FA8] =	sst s4  }
0xd: {  	[smem:$0x3FA9] =	sst s5  }
0xe: {  	[smem:$0x3FAA] =	sst s6  }
0xf: {  	[smem:$0x3FAB] =	sst s7  }
0x10: {  	[smem:$0x3FAC] =	sst s8  }
0x11: {  	[smem:$0x3FAD] =	sst s9;
	s0 =	simm.s32 @!p0 $0x0  }
0x12: {  	s1 =	sld [smem:$0x3F93];
	s0 =	simm.s32 @p0 $0x1  }
0x13: {  	[smem:$0x3FAE] =	sst s0;
	s0 =	simm.s32 @!p1 $0x0  }
0x14: {  	s2 =	sld [smem:$0x3F92];
	s0 =	simm.s32 @p1 $0x1  }
0x15: {  	[smem:$0x3FAF] =	sst s0;
	s0 =	simm.s32 @!p2 $0x0  }
0x16: {  	s3 =	sld [smem:$0x3FDB];
	s0 =	simm.s32 @p2 $0x1  }
0x17: {  	s4 =	simm.s32 $0x1BF5;
	[smem:$0x3FB1] =	sst s0  }
0x18: {  	s0 =	sld [smem:$0x3F94];
	_ =	swait.ge [sflag:s4], $0x0  }
0x19: {  	s7 =	sld [smem:$0x3F95]  }
0x1a: {  	s8 =	sadd.s32 $0xFFFFE003, lr  }
0x1b: {  	s9 =	sadd.s32 $0xFFFFFEF7, lr;
	s5 =	simm.s32 $0xFFFFFFFF;
	p2 =	slt.u32 s8, $0xFFFFF086  }
0x1c: {  	p1 =	slt.u32 s9, $0xF7A;
	s5 =	simm.s32 @!p2 $0x0  }
0x1d: {  	s5 =	simm.s32 @p1 $0x1;
	p0 =	seq.s32 s7, s2  }
0x1e: {  	s7 =	smul.u32 @!p0 $0xF7A, s2;
	p2 =	seq.s32 @!p0 s5, $0x0  }
0x1f: {  	s9 =	smul.u32 $0xF7A, s1;
	s8 =	simm.s32 @!p0 $0x1BF5;
	p2 =	por !p2, p0  }
0x20: {  	[sflag:s8] =	ssyncset.s32 @!p0 $0xFFFFF086;
	s6 =	sadd.s32 @!p0 s3, s7;
	s7 =	simm.s32 @!p0 $0x108  }
0x21: {  	s3 =	sadd.s32 s3, s9;
	s6 =	sadd.s32 @!p0 $0x88, s6;
	s7 =	simm.s32 @p2 $0x1082  }
0x22: {  	[simem:s7], [sflag:s8] =	dma.local @!p0 [hbm:s6], $0xF7A  }
0x23: {  	s9 =	sor.u32 $0xD0000000, s2;
	s6 =	simm.s32 $0x108;
	_ =	swait.ge @!p0 [sflag:s8], $0x0  }
0x24: {  	s3 =	sadd.s32 $0x88, s3;
	s6 =	simm.s32 @!p1 $0x1082;
	[sflag:s4] =	ssyncset.s32 $0xFFFFF086  }
0x25: {  	[simem:s6], [sflag:s4] =	dma.local [hbm:s3], $0xF7A  }
0x26: {  	[smem:$0x3F95] =	sst s1;
	(tag) =	ssettag s2;
	_ =	strace s9  }
0x27: {  	s1 =	sld [smem:$0x3FA5]  }
0x28: {  	s2 =	sld [smem:$0x3FA6]  }
0x29: {  	s4 =	sld [smem:$0x3FA8]  }
0x2a: {  	p0 =	seq.s32 s5, $0x0;
	s5 =	sld [smem:$0x3FA9]  }
0x2b: {  	s6 =	sld [smem:$0x3FAA]  }
0x2c: {  	s7 =	sld [smem:$0x3FAB]  }
0x2d: {  	s3 =	simm.s32 $0x108;
	s8 =	sld [smem:$0x3FAC]  }
0x2e: {  	s3 =	simm.s32 @!p0 $0x1082;
	s9 =	sld [smem:$0x3FAD]  }
0x2f: {  	lr =	sadd.s32 s0, s3;
	s0 =	sld [smem:$0x3FA4]  }
0x30: {  	s3 =	sld [smem:$0x3FA7]  }
0x31: {  	[smem:$0x3FB0] =	sst s10  }
0x32: {  	s10 =	sld [smem:$0x3FAE];
	_ =	sdelay $0x3  }
0x33: {  	p0 =	seq.s32 s10, $0x1;
	s10 =	sld [smem:$0x3FB0];
	_ =	sdelay $0x3  }
0x34: {  	[smem:$0x3FB0] =	sst s10  }
0x35: {  	s10 =	sld [smem:$0x3FAF];
	_ =	sdelay $0x3  }
0x36: {  	p1 =	seq.s32 s10, $0x1;
	s10 =	sld [smem:$0x3FB0];
	_ =	sdelay $0x3  }
0x37: {  	[smem:$0x3FB0] =	sst s10  }
0x38: {  	s10 =	sld [smem:$0x3FB1]  }
0x39: {  	_ = 	snop;
	(pc) =	sbr.ind lr, $3  }
0x3a: {  	_ = 	snop  }
0x3b: {  	_ = 	snop  }
0x3c: {  	p2 =	seq.s32 s10, $0x1;
	s10 =	sld [smem:$0x3FB0]  }
0x3d: {  	_ =	shalt  }
0x3e: {  	_ =	shalt  }
0x3f: {  	_ =	shalt  }
0x40: {  	_ =	shalt  }
0x41: {  	_ =	shalt  }
0x42: {  	_ =	shalt  }
0x43: {  	_ =	shalt  }
0x44: {  	_ =	shalt  }
0x45: {  	_ =	shalt  }
0x46: {  	_ =	shalt  }
0x47: {  	_ =	shalt  }
0x48: {  	_ =	shalt  }
0x49: {  	_ =	shalt  }
0x4a: {  	_ =	shalt  }
0x4b: {  	_ =	shalt  }
0x4c: {  	_ =	shalt  }
0x4d: {  	_ =	shalt  }
0x4e: {  	_ =	shalt  }
0x4f: {  	_ =	shalt  }
0x50: {  	_ =	shalt  }
0x51: {  	_ =	shalt  }
0x52: {  	_ =	shalt  }
0x53: {  	_ =	shalt  }
0x54: {  	_ =	shalt  }
0x55: {  	_ =	shalt  }
0x56: {  	_ =	shalt  }
0x57: {  	_ =	shalt  }
0x58: {  	_ =	shalt  }
0x59: {  	_ =	shalt  }
0x5a: {  	_ =	shalt  }
0x5b: {  	_ =	shalt  }
0x5c: {  	_ =	shalt  }
0x5d: {  	_ =	shalt  }
0x5e: {  	_ =	shalt  }
0x5f: {  	_ =	shalt  }
0x60: {  	_ =	shalt  }
0x61: {  	_ =	shalt  }
0x62: {  	_ =	shalt  }
0x63: {  	_ =	shalt  }
0x64: {  	_ =	shalt  }
0x65: {  	_ =	shalt  }
0x66: {  	_ =	shalt  }
0x67: {  	_ =	shalt  }
0x68: {  	_ =	shalt  }
0x69: {  	_ =	shalt  }
0x6a: {  	_ =	shalt  }
0x6b: {  	_ =	shalt  }
0x6c: {  	_ =	shalt  }
0x6d: {  	_ =	shalt  }
0x6e: {  	_ =	shalt  }
0x6f: {  	_ =	shalt  }
0x70: {  	_ =	shalt  }
0x71: {  	_ =	shalt  }
0x72: {  	_ =	shalt  }
0x73: {  	_ =	shalt  }
0x74: {  	_ =	shalt  }
0x75: {  	_ =	shalt  }
0x76: {  	_ =	shalt  }
0x77: {  	_ =	shalt  }
0x78: {  	_ =	shalt  }
0x79: {  	_ =	shalt  }
0x7a: {  	_ =	shalt  }
0x7b: {  	_ =	shalt  }
0x7c: {  	_ =	shalt  }
0x7d: {  	_ =	shalt  }
0x7e: {  	_ =	shalt  }
0x7f: {  	_ =	shalt  }
0x80: {  	_ =	shalt  }
0x81: {  	_ =	shalt  }
0x82: {  	_ =	shalt  }
0x83: {  	_ =	shalt  }
0x84: {  	_ =	shalt  }
0x85: {  	_ =	shalt  }
0x86: {  	_ =	shalt  }
0x87: {  	_ =	shalt  }
.Lfunc_end0:
.L_simem_size_0:
called_computation.1_lowered:
.L_overlay_start_0:
0x88: {  	s2 =	sld [smem:$0x3FD9]  }
0x89: {  	s3 =	sld [smem:$0x3FFE];
	_ =	sdelay $0x1  }
0x8a: {  	s1 =	srdreg.scid  }
0x8b: {  	s0 =	sand.u32 $0x1, s1  }
0x8c: {  	s16 =	sshll.u32 s0, $0xA;
	s2 =	sadd.s32 s3, s2  }
0x8d: {  	s2 =	sadd.s32 s2, s16  }
0x8e: {  	[smem:$0x3FBC] =	sst s2  }
0x8f: {  	_ = 	snop  }
0x90: {  	(tm) =	ssettm $0x1  }
0x91: {  	s17 =	sld [smem:$0x3FFB];
	_ =	sdelay $0x3  }
0x92: {  	_ =	strace s17  }
0x93: {  	s2 =	sld [smem:$0x3FFC];
	_ =	sdelay $0x3  }
0x94: {  	_ =	strace s2  }
0x95: {  	s2 =	sld [smem:$0x3FFD];
	_ =	sdelay $0x3  }
0x96: {  	_ =	strace s2  }
0x97: {  	_ =	strace $0x8FFFFFFF  }
0x98: {  	s18 =	sld [smem:$0x3FDB];
	_ =	sdelay $0x1  }
0x99: {  	s19 =	simm.s32 $_scs_section_size  }
0x9a: {  	s4 =	simm.s32 $_size__tile_overlayer_lowered;
	s5 =	simm.s32 $_tile_overlayer_lowered  }
0x9b: {  	s22 =	simm.s32 $0x1BFF;
	s21 =	sshll.u32 s5, $0x1;
	s2 =	sadd.s32 s19, s18  }
0x9c: {  	s6 =	simm.s32 $0x0;
	s20 =	sshll.u32 s4, $0x1;
	s4 =	sadd.s32 s21, s2  }
0x9d: {  	[timem:s6], [sflag:s22] =	dma.local [hbm:s4], s20  }
0x9e: {  	_ =	swait.ge [sflag:s22], s20  }
0x9f: {  	s3 =	ssub.s32 $0x0, s20;
	[sflag:s22] =	ssyncset.done $0x0  }
0xa0: {  	[sflag:s22] =	ssyncadd.s32 s3;
	_ =	sdelay $0x1  }
0xa1: {  	s23 =	simm.s32 $0x1B8B  }
0xa2: {  	_ =	swait.ge [sflag:s23], $0x1  }
0xa3: {  	[sflag:s23] =	ssyncset.done $0x0  }
0xa4: {  	s25 =	simm.s32 $0x1B8E;
	s24 =	sld [smem:$0x3FFE];
	[sflag:s23] =	ssyncadd.s32 $0xFFFFFFFF  }
0xa5: {  	s26 =	simm.s32 $execute0_lowered;
	[smem:$0x3FD2] =	sst s25  }
0xa6: {  	s4 =	sshll.u32 s26, $0x1;
	_ =	strace $0x8000004D;
	[dreg:$0x1] =	wrdreg $0xFFFFFFFF  }
0xa7: {  	s28 =	simm.s32 $_size_execute0_lowered;
	s2 =	sadd.s32 s2, s4;
	[dreg:$0x0] =	wrdreg $0x0  }
0xa8: {  	s4 =	sshll.u32 s28, $0x1;
	[dreg:$0x2] =	wrdreg s2  }
0xa9: {  	[dreg:$0x3] =	wrdreg s4  }
0xaa: {  	[dreg:$0x4] =	wrdreg $0xC0  }
0xab: {  	_ =	task [dreg:s6], $0x5FFFF  }
0xac: {  	[dreg:$0x1] =	wrdreg $0xFFFFFFFF  }
0xad: {  	[dreg:$0x0] =	wrdreg $0x60  }
0xae: {  	[dreg:$0x2] =	wrdreg s24  }
0xaf: {  	[dreg:$0x3] =	wrdreg $0x50000  }
0xb0: {  	[dreg:$0x4] =	wrdreg $0x9  }
0xb1: {  	_ =	task.clear_ibuf [dreg:s6], $0x5FFFF;
	_ =	strace $0x9000004D  }
0xb2: {  	s29 =	simm.s32 $0x9;
	_ =	strace $0x8000004F  }
0xb3: {  	_ =	swait.ge [sflag:s29], $0x1  }
0xb4: {  	[sflag:s29] =	ssyncadd.s32 $0xFFFFFFFF  }
0xb5: {  	_ =	strace $0x9000004F  }
0xb6: {  	_ =	sfence  }
0xb7: {  	s30 =	sld [smem:$0x0];
	_ =	sdelay $0x2  }
0xb8: {  	s31 =	sshll.u32 s1, $0xD;
	s1 =	sshrl.u32 s1, $0x2  }
0xb9: {  	s3 =	sand.u32 $0x4000, s31;
	s1 =	sadd.s32 s1, s30  }
0xba: {  	s0 =	sor.u32 s3, s0;
	s1 =	sshll.u32 s1, $0x11  }
0xbb: {  	s0 =	sor.u32 s1, s0  }
0xbc: {  	s0 =	sadd.s32 $0x8F2B, s0  }
0xbd: {  	[sflag:s0] =	ssyncadd.remote.s32 $0x1  }
0xbe: {  	_ =	sfence.sel $0xFFFF  }
0xbf: {  	[dreg:$0x0] =	wrdreg $0xFFFFFFFF;
	(pc) =	sbr.abs _section_cstart, $3  }
0xc0: {  	[dreg:$0x1] =	wrdreg $0xFFFFFFFF  }
0xc1: {  	_ =	task.clear_ibuf [dreg:s6], $0x2FFFF;
	_ =	strace $0x9FFFFFFF  }
0xc2: {  	(tm) =	ssettm $0x7FFFFFFF  }
0xc3: {  	_ =	shalt  }
tec
execute0_lowered:
.L_overlay_start_1:
0x0: {  	(tag) =	ssettag $0x1  }
0x1: {  	s0 =	srdreg.scid  }
0x2: {  	s1 =	rddreg [dreg:$0x0];
	s16 =	stileid.u32;
	s6 =	sand.u32 $0x1, s0  }
0x3: {  	s3 =	smin.u32 s16, $0x2;
	s0 =	smul.u32 $0x2800, s16;
	s10 =	sadd.s32 $0x11400, s1  }
0x4: {  	p1 =	sgt.u32 s16, $0x1;
	s2 =	ssub.s32 $0x0, s6;
	s4 =	sshll.u32 s6, $0x4  }
0x5: {  	s5 =	ssub.s32 $0x2, s6;
	s7 =	smul.u32 $0x28000, s6;
	p0 =	seq.s32 s6, $0x0  }
0x6: {  	s6 =	smul.u32 $0x270, s6;
	s4 =	sor.u32 s16, s4;
	s8 =	sand.u32 s3, s2  }
0x7: {  	s14 =	sshrl.u32 s5, $0x1;
	s3 =	sor.u32 $0x400, s0;
	p0 =	por p0, p1  }
0x8: {  	s9 =	smul.u32 $0x27, s4;
	s2 =	ssub.s32 s5, s14;
	s15 =	sadd.s32 s7, s0  }
0x9: {  	s18 =	sadd.s32 s7, s3;
	s5 =	sadd.s32 $0xC00, s0;
	s6 =	sor.u32 s6, s8  }
0xa: {  	s17 =	sshrl.u32 s15, $0x3;
	s11 =	sshrl.u32 s18, $0x3;
	s20 =	sadd.s32 s7, s5  }
0xb: {  	s15 =	sadd.s32 $0x1400, s0;
	s18 =	sadd.s32 $0x1800, s0;
	s4 =	sadd.s32 s10, s17  }
0xc: {  	s11 =	sadd.s32 s10, s11;
	s21 =	sshrl.u32 s20, $0x3;
	s13 =	sadd.s32 s7, s15  }
0xd: {  	s24 =	sadd.s32 s7, s18;
	s20 =	sadd.s32 $0x2000, s0;
	s17 =	smul.u32 $0x27, s16  }
0xe: {  	s9 =	sadd.s32 s8, s9;
	[dreg:$0x3] =	wrdreg s4;
	s4 =	sadd.s32 $0x800, s0  }
0xf: {  	[dreg:$0x4] =	wrdreg s11;
	s23 =	sshrl.u32 s13, $0x3;
	s25 =	sshrl.u32 s24, $0x3  }
0x10: {  	s29 =	sadd.s32 s7, s20;
	s13 =	rddreg [dreg:$0x1];
	s24 =	smul.u32 $0xA000, s16  }
0x11: {  	s16 =	simm.s32 $0x13;
	s12 =	sadd.s32 s7, s4;
	s14 =	sshrl.u32 s29, $0x3  }
0x12: {  	s6 =	sadd.s32 s17, s6;
	s16 =	simm.s32 @!p0 $0x14;
	s30 =	sadd.s32 s18, s13  }
0x13: {  	s18 =	simm.s32 $0x4000;
	s19 =	sshrl.u32 s12, $0x3;
	s12 =	sadd.s32 $0x1000, s0  }
0x14: {  	s11 =	sadd.s32 s10, s19;
	s22 =	sadd.s32 s7, s12;
	s19 =	sadd.s32 $0x1C00, s0  }
0x15: {  	[dreg:$0x5] =	wrdreg s11;
	s11 =	sadd.s32 s10, s21;
	s26 =	sadd.s32 s7, s19  }
0x16: {  	s21 =	sadd.s32 $0x2400, s0;
	[dreg:$0x6] =	wrdreg s11;
	s11 =	sshrl.u32 s22, $0x3  }
0x17: {  	s0 =	sadd.s32 s0, s13;
	s7 =	sadd.s32 s7, s21;
	s11 =	sadd.s32 s10, s11  }
0x18: {  	s22 =	smin.u32 s9, $0x4A2;
	[dreg:$0x7] =	wrdreg s11;
	s11 =	sadd.s32 s10, s23  }
0x19: {  	s7 =	sshrl.u32 s7, $0x3;
	[dreg:$0x8] =	wrdreg s11;
	s11 =	sadd.s32 s10, s25  }
0x1a: {  	s7 =	sadd.s32 s10, s7;
	[dreg:$0x9] =	wrdreg s11;
	s11 =	sshrl.u32 s26, $0x3  }
0x1b: {  	s23 =	ssub.s32 s9, s22;
	[dreg:$0xc] =	wrdreg s7;
	s11 =	sadd.s32 s10, s11  }
0x1c: {  	s7 =	sshll.u32 s22, $0x4;
	[dreg:$0xa] =	wrdreg s11;
	s11 =	sadd.s32 s10, s14  }
0x1d: {  	s7 =	sadd.s32 s7, s1;
	[dreg:$0xb] =	wrdreg s11;
	s11 =	simm.s32 $0x0  }
0x1e: {  	s14 =	sadd.s32 $0xC400, s1;
	s1 =	sadd.s32 $0x1FE00, s1;
	[smem:$0x7FF] =	sst s11  }
0x1f: {  	s29 =	sadd.s32 $0x7400, s7;
	_ =	strace $0x8000004E;
	[dreg:$0xd] =	wrdreg s1  }
0x20: {  	s26 =	sshll.u32 s23, $0x7;
	s7 =	sadd.s32 $0x2400, s7;
	[dreg:$0xe] =	wrdreg s29  }
0x21: {  	s31 =	sadd.s32 s19, s13;
	s8 =	sadd.s32 $0x1300, s26;
	[dreg:$0xf] =	wrdreg s7  }
0x22: {  	s19 =	simm.s32 $0x3;
	s9 =	smax.u32 s2, $0x1;
	[dreg:$0x10] =	wrdreg s8  }
0x23: {  	s25 =	sshrl.u32 s24, $0x2;
	s22 =	sadd.s32 s4, s13;
	[dreg:$0x12] =	wrdreg s0  }
0x24: {  	s24 =	sadd.s32 s12, s13;
	s10 =	sadd.s32 s3, s13;
	[dreg:$0x13] =	wrdreg s9  }
0x25: {  	s12 =	sadd.s32 s20, s13;
	s20 =	simm.s32 $0x80;
	[dreg:$0x14] =	wrdreg s10  }
0x26: {  	s17 =	sadd.s32 s25, s13;
	s23 =	sadd.s32 s5, s13;
	[dreg:$0x15] =	wrdreg s22  }
0x27: {  	s25 =	sadd.s32 s15, s13;
	s4 =	sadd.s32 $0x800, s17;
	[dreg:$0x16] =	wrdreg s23  }
0x28: {  	s5 =	sadd.s32 $0xC00, s17;
	s15 =	sadd.s32 $0x2400, s17;
	[dreg:$0x17] =	wrdreg s24  }
0x29: {  	s3 =	sadd.s32 $0x400, s17;
	s1 =	sadd.s32 $0x3300, s26;
	[dreg:$0x18] =	wrdreg s25  }
0x2a: {  	s26 =	smax.u32 s6, $0x4A2;
	s0 =	sadd.s32 s21, s13;
	s6 =	sadd.s32 $0x1000, s17  }
0x2b: {  	s7 =	sadd.s32 $0x1400, s17;
	s8 =	sadd.s32 $0x1800, s17;
	s9 =	sadd.s32 $0x1C00, s17  }
0x2c: {  	s10 =	sadd.s32 $0x2000, s17;
	s21 =	simm.s32 $0x4800;
	s22 =	simm.s32 $0x1  }
0x2d: {  	s23 =	simm.s32 $0x2;
	s24 =	simm.s32 $0x0;
	s29 =	sshll.u32 s26, $0x7  }
0x2e: {  	[dreg:$0x11] =	wrdreg s1;
	s28 =	sadd.s32 $0xFFFDAF00, s29;
	s26 =	sadd.s32 $0xFFFDCF00, s29  }
.LBB2_1:
0x2f: {  	s1 =	rddreg [dreg:$0xd]  }
0x30: {  	[tilespmem:s18], [sflag:$0x3] =	stream.linear.gather [hbm4b:s1+s11], $0x400, $0x38;
	[tilespmem:$0x7800] =	vst v63  }
0x31: {  	_ =	swait.ge [sflag:s19], $0x400  }
0x32: {  	[sflag:s19] =	ssyncset.done $0x0  }
0x33: {  	[sflag:s19] =	ssyncadd.s32 $0xFFFFFC00  }
0x34: {  	[spmem:s17] =	stream.linear.scatter [tilespmem:s18], [sflag:$0x3], $0x400, $0x38;
	[tilespmem:$0x7800] =	vst v63  }
0x35: {  	_ =	swait.ge [sflag:s19], $0x400  }
0x36: {  	[sflag:s19] =	ssyncset.done $0x0  }
0x37: {  	[sflag:s19] =	ssyncadd.s32 $0xFFFFFC00  }
0x38: {  	[spmem:s3] =	stream.linear.scatter [tilespmem:s18], [sflag:$0x3], $0x400, $0x38;
	[tilespmem:$0x7800] =	vst v63  }
0x39: {  	_ =	swait.ge [sflag:s19], $0x400  }
0x3a: {  	[sflag:s19] =	ssyncset.done $0x0  }
0x3b: {  	[sflag:s19] =	ssyncadd.s32 $0xFFFFFC00  }
0x3c: {  	[spmem:s4] =	stream.linear.scatter [tilespmem:s18], [sflag:$0x3], $0x400, $0x38;
	[tilespmem:$0x7800] =	vst v63  }
0x3d: {  	_ =	swait.ge [sflag:s19], $0x400  }
0x3e: {  	[sflag:s19] =	ssyncset.done $0x0  }
0x3f: {  	[sflag:s19] =	ssyncadd.s32 $0xFFFFFC00  }
0x40: {  	[spmem:s5] =	stream.linear.scatter [tilespmem:s18], [sflag:$0x3], $0x400, $0x38;
	[tilespmem:$0x7800] =	vst v63  }
0x41: {  	_ =	swait.ge [sflag:s19], $0x400  }
0x42: {  	[sflag:s19] =	ssyncset.done $0x0  }
0x43: {  	[sflag:s19] =	ssyncadd.s32 $0xFFFFFC00  }
0x44: {  	[spmem:s6] =	stream.linear.scatter [tilespmem:s18], [sflag:$0x3], $0x400, $0x38;
	[tilespmem:$0x7800] =	vst v63  }
0x45: {  	_ =	swait.ge [sflag:s19], $0x400  }
0x46: {  	[sflag:s19] =	ssyncset.done $0x0  }
0x47: {  	[sflag:s19] =	ssyncadd.s32 $0xFFFFFC00  }
0x48: {  	[spmem:s7] =	stream.linear.scatter [tilespmem:s18], [sflag:$0x3], $0x400, $0x38;
	[tilespmem:$0x7800] =	vst v63  }
0x49: {  	_ =	swait.ge [sflag:s19], $0x400  }
0x4a: {  	[sflag:s19] =	ssyncset.done $0x0  }
0x4b: {  	[sflag:s19] =	ssyncadd.s32 $0xFFFFFC00  }
0x4c: {  	[spmem:s8] =	stream.linear.scatter [tilespmem:s18], [sflag:$0x3], $0x400, $0x38;
	[tilespmem:$0x7800] =	vst v63  }
0x4d: {  	_ =	swait.ge [sflag:s19], $0x400  }
0x4e: {  	[sflag:s19] =	ssyncset.done $0x0  }
0x4f: {  	[sflag:s19] =	ssyncadd.s32 $0xFFFFFC00  }
0x50: {  	[spmem:s9] =	stream.linear.scatter [tilespmem:s18], [sflag:$0x3], $0x400, $0x38;
	[tilespmem:$0x7800] =	vst v63  }
0x51: {  	_ =	swait.ge [sflag:s19], $0x400  }
0x52: {  	[sflag:s19] =	ssyncset.done $0x0  }
0x53: {  	[sflag:s19] =	ssyncadd.s32 $0xFFFFFC00  }
0x54: {  	[spmem:s10] =	stream.linear.scatter [tilespmem:s18], [sflag:$0x3], $0x400, $0x38;
	[tilespmem:$0x7800] =	vst v63  }
0x55: {  	_ =	swait.ge [sflag:s19], $0x400  }
0x56: {  	[sflag:s19] =	ssyncset.done $0x0  }
0x57: {  	[sflag:s19] =	ssyncadd.s32 $0xFFFFFC00  }
0x58: {  	[spmem:s15] =	stream.linear.scatter [tilespmem:s18], [sflag:$0x3], $0x400, $0x38;
	[tilespmem:$0x7800] =	vst v63  }
0x59: {  	_ =	swait.ge [sflag:s19], $0x400  }
0x5a: {  	[sflag:s19] =	ssyncset.done $0x0  }
0x5b: {  	s25 =	rddreg [dreg:$0xe];
	[sflag:s19] =	ssyncadd.s32 $0xFFFFFC00  }
0x5c: {  	[tilespmem:s11], [sflag:$0x3] =	stream.linear.gather [hbm4b:s25+s11], $0x2000, $0x38;
	[tilespmem:$0x7800] =	vst v63  }
0x5d: {  	_ =	swait.ge [sflag:s19], $0x2000  }
0x5e: {  	[sflag:s19] =	ssyncset.done $0x0  }
0x5f: {  	s2 =	simm.s32 $0x2000;
	s29 =	rddreg [dreg:$0xf];
	[sflag:s19] =	ssyncadd.s32 $0xFFFFE000  }
0x60: {  	[tilespmem:s2], [sflag:$0x3] =	stream.linear.gather [hbm4b:s29+s11], $0x2000, $0x38;
	[tilespmem:$0x7800] =	vst v63  }
0x61: {  	_ =	swait.ge [sflag:s19], $0x2000  }
0x62: {  	[sflag:s19] =	ssyncset.done $0x0  }
0x63: {  	[sflag:s19] =	ssyncadd.s32 $0xFFFFE000  }
0x64: {  	[bflag:$0x0] =	sbarrier.arrive $0xFFFF  }
0x65: {  	[tilespmem:s18], [sflag:$0x1] =	stream.indirect.gather [hbm4b:s14+s20], $0x10, s28, s20, $0xb8;
	[tilespmem:$0x7800] =	vst v63  }
0x66: {  	s25 =	sadd.s32 $0x80, s28  }
0x67: {  	[tilespmem:s21], [sflag:$0x2] =	stream.indirect.gather [hbm4b:s14+s20], $0x10, s25, s20, $0xb8;
	[tilespmem:$0x7800] =	vst v63  }
0x68: {  	_ =	swait.ge [sflag:s22], $0x800  }
0x69: {  	[sflag:s22] =	ssyncset.done $0x0  }
0x6a: {  	[sflag:s22] =	ssyncadd.s32 $0xFFFFF800  }
0x6b: {  	[spmem:s13] =	stream.indirect.scatter.add.f32 [tilespmem:s18], [sflag:$0x3], $0x10, s26, s20, $0xb8;
	[tilespmem:$0x7800] =	vst v63  }
0x6c: {  	_ =	swait.ge [sflag:s19], $0x800  }
0x6d: {  	[sflag:s19] =	ssyncset.done $0x0  }
0x6e: {  	[sflag:s19] =	ssyncadd.s32 $0xFFFFF800  }
0x6f: {  	p1 =	sne.s32 s16, $0x1;
	_ =	swait.ge [sflag:s23], $0x800  }
.Ltmp0:
0x70: {  	[sflag:s23] =	ssyncset.done $0x0;
	(pc) =	sbr.rel @!p1 .LBB2_3-.Ltmp0, $4  }
0x71: {  	s29 =	sadd.s32 $0x80, s26;
	[sflag:s23] =	ssyncadd.s32 $0xFFFFF800  }
0x72: {  	[spmem:s13] =	stream.indirect.scatter.add.f32 [tilespmem:s21], [sflag:$0x3], $0x10, s29, s20, $0xb8;
	[tilespmem:$0x7800] =	vst v63  }
0x73: {  	s1 =	smov.u32 s28;
	_ =	swait.ge [sflag:s19], $0x800  }
0x74: {  	s2 =	smov.u32 s26;
	s25 =	sadd.s32 $0xFFFFFFFF, s16;
	[sflag:s19] =	ssyncset.done $0x0  }
.LBB2_2:
0x75: {  	[sflag:s19] =	ssyncadd.s32 $0xFFFFF800;
	s2 =	sadd.s32 $0x100, s2;
	s1 =	sadd.s32 $0x100, s1  }
0x76: {  	[tilespmem:s18], [sflag:$0x1] =	stream.indirect.gather [hbm4b:s14+s20], $0x10, s1, s20, $0xb8;
	[tilespmem:$0x7800] =	vst v63  }
0x77: {  	p1 =	sne.s32 s25, $0x1;
	s25 =	sadd.s32 $0xFFFFFFFF, s25;
	s29 =	sadd.s32 $0x80, s1  }
0x78: {  	[tilespmem:s21], [sflag:$0x2] =	stream.indirect.gather [hbm4b:s14+s20], $0x10, s29, s20, $0xb8;
	[tilespmem:$0x7800] =	vst v63  }
0x79: {  	_ =	swait.ge [sflag:s22], $0x800  }
0x7a: {  	[sflag:s22] =	ssyncset.done $0x0  }
0x7b: {  	[sflag:s22] =	ssyncadd.s32 $0xFFFFF800  }
0x7c: {  	[spmem:s13] =	stream.indirect.scatter.add.f32 [tilespmem:s18], [sflag:$0x3], $0x10, s2, s20, $0xb8;
	[tilespmem:$0x7800] =	vst v63  }
0x7d: {  	_ =	swait.ge [sflag:s19], $0x800  }
0x7e: {  	[sflag:s19] =	ssyncset.done $0x0  }
0x7f: {  	[sflag:s19] =	ssyncadd.s32 $0xFFFFF800  }
0x80: {  	_ =	swait.ge [sflag:s23], $0x800  }
.Ltmp1:
0x81: {  	[sflag:s23] =	ssyncset.done $0x0;
	(pc) =	sbr.rel @p1 .LBB2_2-.Ltmp1, $4  }
0x82: {  	s29 =	sadd.s32 $0x80, s2;
	[sflag:s23] =	ssyncadd.s32 $0xFFFFF800  }
0x83: {  	[spmem:s13] =	stream.indirect.scatter.add.f32 [tilespmem:s21], [sflag:$0x3], $0x10, s29, s20, $0xb8;
	[tilespmem:$0x7800] =	vst v63  }
0x84: {  	_ =	swait.ge [sflag:s19], $0x800  }
0x85: {  	[sflag:s19] =	ssyncset.done $0x0  }
.LBB2_3:
0x86: {  	[sflag:s19] =	ssyncadd.s32 $0xFFFFF800  }
0x87: {  	s1 =	simm.s32 @p0 $0x80;
	s2 =	simm.s32 @p0 $0x4000;
	s25 =	rddreg [dreg:$0x10]  }
0x88: {  	[tilespmem:s2], [sflag:$0x1] =	stream.indirect.gather @p0 [hbm4b:s14+s1], $0x10, s25, s1, $0xb8;
	[tilespmem:$0x7800] =	vst v63  }
0x89: {  	s25 =	simm.s32 @p0 $0x1  }
0x8a: {  	_ =	swait.ge @p0 [sflag:s25], $0x800  }
0x8b: {  	[sflag:s25] =	ssyncset.done @p0 $0x0  }
0x8c: {  	[sflag:s25] =	ssyncadd.s32 @p0 $0xFFFFF800;
	s25 =	rddreg [dreg:$0x11]  }
0x8d: {  	[spmem:s13] =	stream.indirect.scatter.add.f32 @p0 [tilespmem:s2], [sflag:$0x3], $0x10, s25, s1, $0xb8;
	[tilespmem:$0x7800] =	vst v63  }
0x8e: {  	s1 =	simm.s32 @p0 $0x3  }
0x8f: {  	_ =	swait.ge @p0 [sflag:s1], $0x800  }
0x90: {  	[sflag:s1] =	ssyncset.done @p0 $0x0  }
0x91: {  	[sflag:s1] =	ssyncadd.s32 @p0 $0xFFFFF800  }
0x92: {  	[bflag:$0x0] =	sbarrier.arrive $0xFFFF  }
0x93: {  	s25 =	rddreg [dreg:$0x12]  }
0x94: {  	[tilespmem:s18], [sflag:$0x3] =	stream.linear.gather [spmem:s25], $0x400, $0x38;
	[tilespmem:$0x7800] =	vst v63  }
0x95: {  	_ =	swait.ge [sflag:s19], $0x400  }
0x96: {  	[sflag:s19] =	ssyncset.done $0x0  }
0x97: {  	s29 =	rddreg [dreg:$0x3];
	[sflag:s19] =	ssyncadd.s32 $0xFFFFFC00  }
0x98: {  	[hbm4b:s29+s11] =	stream.linear.scatter [tilespmem:s18], [sflag:$0x3], $0x400, $0x38;
	[tilespmem:$0x7800] =	vst v63  }
0x99: {  	_ =	swait.ge [sflag:s19], $0x400  }
0x9a: {  	[sflag:s19] =	ssyncset.done $0x0  }
0x9b: {  	s2 =	rddreg [dreg:$0x14];
	[sflag:s19] =	ssyncadd.s32 $0xFFFFFC00  }
0x9c: {  	[tilespmem:s18], [sflag:$0x3] =	stream.linear.gather [spmem:s2], $0x400, $0x38;
	[tilespmem:$0x7800] =	vst v63  }
0x9d: {  	_ =	swait.ge [sflag:s19], $0x400  }
0x9e: {  	[sflag:s19] =	ssyncset.done $0x0  }
0x9f: {  	s25 =	rddreg [dreg:$0x4];
	[sflag:s19] =	ssyncadd.s32 $0xFFFFFC00  }
0xa0: {  	[hbm4b:s25+s11] =	stream.linear.scatter [tilespmem:s18], [sflag:$0x3], $0x400, $0x38;
	[tilespmem:$0x7800] =	vst v63  }
0xa1: {  	_ =	swait.ge [sflag:s19], $0x400  }
0xa2: {  	[sflag:s19] =	ssyncset.done $0x0  }
0xa3: {  	s29 =	rddreg [dreg:$0x15];
	[sflag:s19] =	ssyncadd.s32 $0xFFFFFC00  }
0xa4: {  	[tilespmem:s18], [sflag:$0x3] =	stream.linear.gather [spmem:s29], $0x400, $0x38;
	[tilespmem:$0x7800] =	vst v63  }
0xa5: {  	_ =	swait.ge [sflag:s19], $0x400  }
0xa6: {  	[sflag:s19] =	ssyncset.done $0x0  }
0xa7: {  	s2 =	rddreg [dreg:$0x5];
	[sflag:s19] =	ssyncadd.s32 $0xFFFFFC00  }
0xa8: {  	[hbm4b:s2+s11] =	stream.linear.scatter [tilespmem:s18], [sflag:$0x3], $0x400, $0x38;
	[tilespmem:$0x7800] =	vst v63  }
0xa9: {  	_ =	swait.ge [sflag:s19], $0x400  }
0xaa: {  	[sflag:s19] =	ssyncset.done $0x0  }
0xab: {  	s25 =	rddreg [dreg:$0x16];
	[sflag:s19] =	ssyncadd.s32 $0xFFFFFC00  }
0xac: {  	[tilespmem:s18], [sflag:$0x3] =	stream.linear.gather [spmem:s25], $0x400, $0x38;
	[tilespmem:$0x7800] =	vst v63  }
0xad: {  	_ =	swait.ge [sflag:s19], $0x400  }
0xae: {  	[sflag:s19] =	ssyncset.done $0x0  }
0xaf: {  	s29 =	rddreg [dreg:$0x6];
	[sflag:s19] =	ssyncadd.s32 $0xFFFFFC00  }
0xb0: {  	[hbm4b:s29+s11] =	stream.linear.scatter [tilespmem:s18], [sflag:$0x3], $0x400, $0x38;
	[tilespmem:$0x7800] =	vst v63  }
0xb1: {  	_ =	swait.ge [sflag:s19], $0x400  }
0xb2: {  	[sflag:s19] =	ssyncset.done $0x0  }
0xb3: {  	s2 =	rddreg [dreg:$0x17];
	[sflag:s19] =	ssyncadd.s32 $0xFFFFFC00  }
0xb4: {  	[tilespmem:s18], [sflag:$0x3] =	stream.linear.gather [spmem:s2], $0x400, $0x38;
	[tilespmem:$0x7800] =	vst v63  }
0xb5: {  	_ =	swait.ge [sflag:s19], $0x400  }
0xb6: {  	[sflag:s19] =	ssyncset.done $0x0  }
0xb7: {  	s25 =	rddreg [dreg:$0x7];
	[sflag:s19] =	ssyncadd.s32 $0xFFFFFC00  }
0xb8: {  	[hbm4b:s25+s11] =	stream.linear.scatter [tilespmem:s18], [sflag:$0x3], $0x400, $0x38;
	[tilespmem:$0x7800] =	vst v63  }
0xb9: {  	_ =	swait.ge [sflag:s19], $0x400  }
0xba: {  	[sflag:s19] =	ssyncset.done $0x0  }
0xbb: {  	s29 =	rddreg [dreg:$0x18];
	[sflag:s19] =	ssyncadd.s32 $0xFFFFFC00  }
0xbc: {  	[tilespmem:s18], [sflag:$0x3] =	stream.linear.gather [spmem:s29], $0x400, $0x38;
	[tilespmem:$0x7800] =	vst v63  }
0xbd: {  	_ =	swait.ge [sflag:s19], $0x400  }
0xbe: {  	[sflag:s19] =	ssyncset.done $0x0  }
0xbf: {  	s2 =	rddreg [dreg:$0x8];
	[sflag:s19] =	ssyncadd.s32 $0xFFFFFC00  }
0xc0: {  	[hbm4b:s2+s11] =	stream.linear.scatter [tilespmem:s18], [sflag:$0x3], $0x400, $0x38;
	[tilespmem:$0x7800] =	vst v63  }
0xc1: {  	_ =	swait.ge [sflag:s19], $0x400  }
0xc2: {  	[sflag:s19] =	ssyncset.done $0x0  }
0xc3: {  	[sflag:s19] =	ssyncadd.s32 $0xFFFFFC00  }
0xc4: {  	[tilespmem:s18], [sflag:$0x3] =	stream.linear.gather [spmem:s30], $0x400, $0x38;
	[tilespmem:$0x7800] =	vst v63  }
0xc5: {  	_ =	swait.ge [sflag:s19], $0x400  }
0xc6: {  	[sflag:s19] =	ssyncset.done $0x0  }
0xc7: {  	s25 =	rddreg [dreg:$0x9];
	[sflag:s19] =	ssyncadd.s32 $0xFFFFFC00  }
0xc8: {  	[hbm4b:s25+s11] =	stream.linear.scatter [tilespmem:s18], [sflag:$0x3], $0x400, $0x38;
	[tilespmem:$0x7800] =	vst v63  }
0xc9: {  	_ =	swait.ge [sflag:s19], $0x400  }
0xca: {  	[sflag:s19] =	ssyncset.done $0x0  }
0xcb: {  	[sflag:s19] =	ssyncadd.s32 $0xFFFFFC00  }
0xcc: {  	[tilespmem:s18], [sflag:$0x3] =	stream.linear.gather [spmem:s31], $0x400, $0x38;
	[tilespmem:$0x7800] =	vst v63  }
0xcd: {  	_ =	swait.ge [sflag:s19], $0x400  }
0xce: {  	[sflag:s19] =	ssyncset.done $0x0  }
0xcf: {  	s29 =	rddreg [dreg:$0xa];
	[sflag:s19] =	ssyncadd.s32 $0xFFFFFC00  }
0xd0: {  	[hbm4b:s29+s11] =	stream.linear.scatter [tilespmem:s18], [sflag:$0x3], $0x400, $0x38;
	[tilespmem:$0x7800] =	vst v63  }
0xd1: {  	_ =	swait.ge [sflag:s19], $0x400  }
0xd2: {  	[sflag:s19] =	ssyncset.done $0x0  }
0xd3: {  	[sflag:s19] =	ssyncadd.s32 $0xFFFFFC00  }
0xd4: {  	[tilespmem:s18], [sflag:$0x3] =	stream.linear.gather [spmem:s12], $0x400, $0x38;
	[tilespmem:$0x7800] =	vst v63  }
0xd5: {  	_ =	swait.ge [sflag:s19], $0x400  }
0xd6: {  	[sflag:s19] =	ssyncset.done $0x0  }
0xd7: {  	s2 =	rddreg [dreg:$0xb];
	[sflag:s19] =	ssyncadd.s32 $0xFFFFFC00  }
0xd8: {  	[hbm4b:s2+s11] =	stream.linear.scatter [tilespmem:s18], [sflag:$0x3], $0x400, $0x38;
	[tilespmem:$0x7800] =	vst v63  }
0xd9: {  	_ =	swait.ge [sflag:s19], $0x400  }
0xda: {  	[sflag:s19] =	ssyncset.done $0x0  }
0xdb: {  	[sflag:s19] =	ssyncadd.s32 $0xFFFFFC00  }
0xdc: {  	[tilespmem:s18], [sflag:$0x3] =	stream.linear.gather [spmem:s0], $0x400, $0x38;
	[tilespmem:$0x7800] =	vst v63  }
0xdd: {  	_ =	swait.ge [sflag:s19], $0x400  }
0xde: {  	[sflag:s19] =	ssyncset.done $0x0  }
0xdf: {  	s25 =	rddreg [dreg:$0xc];
	[sflag:s19] =	ssyncadd.s32 $0xFFFFFC00  }
0xe0: {  	[hbm4b:s25+s11] =	stream.linear.scatter [tilespmem:s18], [sflag:$0x3], $0x400, $0x38;
	[tilespmem:$0x7800] =	vst v63  }
0xe1: {  	_ =	swait.ge [sflag:s19], $0x400  }
0xe2: {  	s24 =	sadd.s32 $0x1, s24;
	s29 =	rddreg [dreg:$0x13]  }
0xe3: {  	p1 =	sne.s32 s24, s29  }
.Ltmp2:
0xe4: {  	_ = 	snop;
	(pc) =	sbr.rel @p1 .LBB2_1-.Ltmp2, $3  }
0xe5: {  	_ =	sdelay $0x1  }
0xe6: {  	[sflag:s19] =	ssyncset.done $0x0  }
0xe7: {  	[sflag:s19] =	ssyncadd.s32 $0xFFFFFC00  }
0xe8: {  	_ =	sfence.sel $0x180000  }
0xe9: {  	[bflag:$0x0] =	sbarrier.arrive $0xFFFF  }
0xea: {  	_ =	strace $0x9000004E  }
0xeb: {  	s0 =	stileid.u32;
	[bflag:$0x2] =	sbarrier.arrive $0xFFFF  }
0xec: {  	p0 =	sne.s32 s0, $0x0;
	s0 =	rddreg [dreg:$0x2]  }
0xed: {  	s0 =	sadd.s32 @!p0 $0x100000, s0  }
0xee: {  	[sflag:s0] =	ssyncadd.tile.s32 @!p0 $0x1;
	_ =	shalt  }
.Lfunc_end2:
_tile_overlayer_lowered:
.L_overlay_start_2:
0xef: {  	(tag) =	ssettag $0x2  }
0xf0: {  	s0 =	rddreg [dreg:$0x0];
	s2 =	stileid.u32  }
0xf1: {  	s1 =	rddreg [dreg:$0x1];
	p0 =	sne.s32 s2, $0x0  }
0xf2: {  	s3 =	rddreg [dreg:$0x2];
	[bflag:$0x3] =	sbarrier.arrive $0xFFFF;
	s2 =	simm.s32 @!p0 $0x1C03  }
0xf3: {  	[timem:s3], [sflag:s2] =	dma.local @!p0 [hbm:s0], s1  }
0xf4: {  	s0 =	simm.s32 @!p0 $0x3  }
0xf5: {  	_ =	swait.ge @!p0 [sflag:s0], s1  }
0xf6: {  	s1 =	ssub.s32 @!p0 $0x0, s1;
	[sflag:s0] =	ssyncset.done @!p0 $0x0  }
0xf7: {  	[sflag:s0] =	ssyncadd.s32 @!p0 s1  }
0xf8: {  	[bflag:$0x3] =	sbarrier.arrive $0xFFFF  }
0xf9: {  	_ =	shalt  }

</sc_bundles>
